<compile_context>
chip_gen: v7x
topology: tpu7x:2x2x1
jax: 0.10.2.dev20260603
libtpu: 0.0.44.dev20260713+nightly
codegen_flags: <defaults>
</compile_context>

<pallas_src>
import functools

import jax
import jax.numpy as jnp
from jax import lax
from jax.experimental import pallas as pl
from jax.experimental.pallas import tpu as pltpu
from jax.experimental.pallas import tpu_sc as plsc

N = 10000
E = 320000
D = 128
NP = 10240
NC = 2
NS = 16
L = 16
NW = NC * NS
K = 80
CH = 125
RPT = NP // NS

_f32 = jnp.float32

_sc_mesh = plsc.VectorSubcoreMesh(
    core_axis_name="c", subcore_axis_name="s", num_cores=NC, num_subcores=NS
)
_sc_params = pltpu.CompilerParams(needs_layout_passes=False)


def _deg_body(dst_hbm, out_hbm, dbuf, hist):
    c = lax.axis_index("c")
    s = lax.axis_index("s")
    wid = s * NC + c

    def zero(i, _):
        hist[pl.ds(pl.multiple_of(i * L, L), L)] = jnp.zeros((L,), _f32)
        return _

    lax.fori_loop(0, NP // L, zero, None)

    pltpu.sync_copy(dst_hbm.at[wid], dbuf)

    ones = jnp.ones((L,), _f32)

    def body(j, _):
        for t in range(K // L):
            idx = dbuf[j, pl.ds(t * L, L)]
            plsc.addupdate_scatter(hist, [idx], ones)
        return _

    lax.fori_loop(0, CH, body, None)
    pltpu.sync_copy(hist, out_hbm.at[wid])


_deg = functools.partial(
    pl.kernel,
    out_type=jax.ShapeDtypeStruct((NW, NP), _f32),
    mesh=_sc_mesh,
    compiler_params=_sc_params,
    scratch_types=[
        pltpu.VMEM((CH, K), jnp.int32),
        pltpu.VMEM((NP,), _f32),
    ],
)(_deg_body)


def _agg_body(
    g_hbm, idx_hbm, out_hbm,
    ibuf0, ibuf1, rows0, rows1, acc,
    i0, i1, g0, g1, s0, s1
):
    c = lax.axis_index("c")
    s = lax.axis_index("s")
    wid = s * NC + c
    ibuf = (ibuf0, ibuf1)
    rows = (rows0, rows1)
    isem = (i0, i1)
    gsem = (g0, g1)
    ssem = (s0, s1)

    def ld_i(b, j):
        pltpu.async_copy(idx_hbm.at[wid, j], ibuf[b], isem[b])

    def wait_i(b):
        pltpu.make_async_copy(idx_hbm.at[wid, 0], ibuf[b], isem[b]).wait()

    def start_g(b):
        pltpu.async_copy(g_hbm.at[ibuf[b].at[0]], rows[b], gsem[b])

    def wait_g(b):
        pltpu.make_async_copy(g_hbm.at[ibuf[b].at[0]], rows[b], gsem[b]).wait()

    def start_s(b):
        pltpu.async_copy(rows[b], acc.at[ibuf[b].at[1]], ssem[b], add=True)

    def wait_s(b):
        pltpu.make_async_copy(rows[b], acc.at[ibuf[b].at[1]], ssem[b]).wait()

    ld_i(0, 0)
    ld_i(1, 1)

    def zrow(r, _):
        for t in range(D // L):
            rows0[r, pl.ds(t * L, L)] = jnp.zeros((L,), _f32)
        return _

    lax.fori_loop(0, K, zrow, None)
    base = s * RPT
    for t in range(RPT // K):
        pltpu.sync_copy(rows0, acc.at[pl.ds(base + t * K, K)])
    plsc.subcore_barrier()

    wait_i(0)
    start_g(0)
    wait_i(1)
    start_g(1)

    def body(i, _):
        j = 2 * i
        wait_g(0)
        start_s(0)
        wait_s(0)
        ld_i(0, j + 2)
        wait_i(0)
        start_g(0)
        wait_g(1)
        start_s(1)
        wait_s(1)
        ld_i(1, j + 3)
        wait_i(1)
        start_g(1)
        return _

    lax.fori_loop(0, (CH - 3) // 2, body, None)

    wait_g(0)
    start_s(0)
    wait_s(0)
    ld_i(0, CH - 1)
    wait_i(0)
    start_g(0)
    wait_g(1)
    start_s(1)
    wait_s(1)
    wait_g(0)
    start_s(0)
    wait_s(0)

    plsc.subcore_barrier()
    pltpu.sync_copy(
        acc.at[pl.ds(s * RPT, RPT)], out_hbm.at[c, pl.ds(s * RPT, RPT)]
    )


_agg = functools.partial(
    pl.kernel,
    out_type=jax.ShapeDtypeStruct((NC, NP, D), _f32),
    mesh=_sc_mesh,
    compiler_params=_sc_params,
    scratch_types=[
        pltpu.VMEM((2, K), jnp.int32),
        pltpu.VMEM((2, K), jnp.int32),
        pltpu.VMEM((K, D), _f32),
        pltpu.VMEM((K, D), _f32),
        pltpu.VMEM_SHARED((NP, D), _f32),
        pltpu.SemaphoreType.DMA,
        pltpu.SemaphoreType.DMA,
        pltpu.SemaphoreType.DMA,
        pltpu.SemaphoreType.DMA,
        pltpu.SemaphoreType.DMA,
        pltpu.SemaphoreType.DMA,
    ],
)(_agg_body)


BN = 512
GRID = NP // BN


def _dinv_of(cnt):
    return lax.rsqrt(jnp.sum(cnt, axis=0) + 1.0)


def _prep_body(x_ref, cnt_ref, w_ref, g_ref):
    dinv = _dinv_of(cnt_ref[...])
    h = jnp.dot(x_ref[...], w_ref[...], preferred_element_type=_f32)
    g_ref[...] = h * dinv[:, None]


def _mid_body(p0_ref, p1_ref, g_ref, cnt_ref, b_ref, w_ref, o_ref):
    dinv = _dinv_of(cnt_ref[...])
    g = g_ref[...]
    s = p0_ref[...] + p1_ref[...] + g
    x1 = s * dinv[:, None] + b_ref[...]
    h2 = jnp.dot(x1, w_ref[...], preferred_element_type=_f32)
    o_ref[...] = h2 * dinv[:, None]


def _fin_body(p0_ref, p1_ref, g_ref, cnt_ref, b_ref, o_ref):
    dinv = _dinv_of(cnt_ref[...])
    g = g_ref[...]
    s = p0_ref[...] + p1_ref[...] + g
    o_ref[...] = jnp.tanh(s * dinv[:, None] + b_ref[...])


_row_spec = pl.BlockSpec((BN, D), lambda i: (i, 0))
_cnt_spec = pl.BlockSpec((NW, BN), lambda i: (0, i))
_w_spec = pl.BlockSpec((D, D), lambda i: (0, 0))
_b_spec = pl.BlockSpec((1, D), lambda i: (0, 0))

_prep = pl.pallas_call(
    _prep_body,
    grid=(GRID,),
    in_specs=[_row_spec, _cnt_spec, _w_spec],
    out_specs=_row_spec,
    out_shape=jax.ShapeDtypeStruct((NP, D), _f32),
)

_mid = pl.pallas_call(
    _mid_body,
    grid=(GRID,),
    in_specs=[_row_spec, _row_spec, _row_spec, _cnt_spec, _b_spec, _w_spec],
    out_specs=_row_spec,
    out_shape=jax.ShapeDtypeStruct((NP, D), _f32),
)

_fin = pl.pallas_call(
    _fin_body,
    grid=(GRID,),
    in_specs=[_row_spec, _row_spec, _row_spec, _cnt_spec, _b_spec],
    out_specs=_row_spec,
    out_shape=jax.ShapeDtypeStruct((NP, D), _f32),
)


@jax.jit
def _run(x, edge_index, W1, b1, W2, b2):
    src = edge_index[0].reshape(NW, CH, K)
    dst = edge_index[1].reshape(NW, CH, K)
    idx = jnp.stack([src, dst], axis=2)
    xp = jnp.pad(x, ((0, NP - N), (0, 0)))
    b1r = b1.reshape(1, D)
    b2r = b2.reshape(1, D)

    cnt = _deg(dst)
    g1 = _prep(xp, cnt, W1)
    p = _agg(g1, idx)
    g2 = _mid(p[0], p[1], g1, cnt, b1r, W2)
    q = _agg(g2, idx)
    out = _fin(q[0], q[1], g2, cnt, b2r)
    return out[:N]


def kernel(x, edge_index, W1, b1, W2, b2):
    return _run(x, edge_index, W1, b1, W2, b2)

# --- scband reference (transcript-rebuilt; emitter-appended) ---
"""Pipeline reference for scband-gcndecoder-18614388261507 (READ-ONLY COPY).

The authoritative reference and input builder live on the scoring server;
editing this copy changes nothing except your own understanding.
"""

import jax, jax.numpy as jnp
import numpy as np

N = 10000
E = 320000
D_IN = 128
D_HID = 128
D_OUT = 128


def setup_inputs(seed: int = 0) -> dict:
    key = jax.random.key(seed)
    k1, k2, k3, k4, k5, k6 = jax.random.split(key, 6)
    x = jax.random.normal(k1, (N, D_IN), dtype=jnp.float32)
    edge_index = jax.random.randint(k2, (2, E), 0, N, dtype=jnp.int32)
    W1 = jax.random.normal(k3, (D_IN, D_HID), dtype=jnp.float32) * (1.0 / np.sqrt(D_IN))
    b1 = jnp.zeros((D_HID,), dtype=jnp.float32)
    W2 = jax.random.normal(k4, (D_HID, D_OUT), dtype=jnp.float32) * (1.0 / np.sqrt(D_HID))
    b2 = jnp.zeros((D_OUT,), dtype=jnp.float32)
    return {"x": x, "edge_index": edge_index, "W1": W1, "b1": b1, "W2": W2, "b2": b2}


def _gcn_conv(x, edge_index, W, b):
    # Faithful PyG-style GCNConv: add self-loops, symmetric deg^{-1/2} normalization,
    # linear transform, gather messages from src, scatter-add to dst, add bias.
    n = x.shape[0]
    src = edge_index[0]
    dst = edge_index[1]
    loop = jnp.arange(n, dtype=src.dtype)
    src = jnp.concatenate([src, loop], axis=0)
    dst = jnp.concatenate([dst, loop], axis=0)
    ones = jnp.ones(src.shape[0], dtype=x.dtype)
    deg = jnp.zeros((n,), dtype=x.dtype).at[dst].add(ones)
    deg_inv_sqrt = jnp.where(deg > 0, 1.0 / jnp.sqrt(deg), 0.0)
    norm = deg_inv_sqrt[src] * deg_inv_sqrt[dst]
    h = x @ W
    msg = h[src] * norm[:, None]
    out = jnp.zeros((n, W.shape[1]), dtype=x.dtype).at[dst].add(msg)
    return out + b


def reference(x, edge_index, W1, b1, W2, b2):
    x1 = _gcn_conv(x, edge_index, W1, b1)
    x2 = _gcn_conv(x1, edge_index, W2, b2)
    x3 = jnp.tanh(x2)
    return x3

if __name__ == "__main__":
    import jax
    _d = setup_inputs()
    print(jax.jit(kernel)(*tuple(_d.values())))

</pallas_src>

<mosaic_0001>
#map = affine_map<(d0, d1) -> (0, 0)>
#map1 = affine_map<(d0, d1) -> (0, 0, 0, 0)>
#map2 = affine_map<(d0, d1) -> (0, 0, 0)>
module attributes {stable_mosaic.version = 14 : i64} {
  func.func @_agg_body(%arg0: i32, %arg1: i32, %arg2: memref<10240x128xf32, #tpu.memory_space<hbm>>, %arg3: memref<32x125x2x80xi32, #tpu.memory_space<hbm>>, %arg4: memref<2x10240x128xf32, #tpu.memory_space<hbm>>, %arg5: memref<2x80xi32, #tpu.memory_space<vmem>>, %arg6: memref<2x80xi32, #tpu.memory_space<vmem>>, %arg7: memref<80x128xf32, #tpu.memory_space<vmem>>, %arg8: memref<80x128xf32, #tpu.memory_space<vmem>>, %arg9: memref<10240x128xf32, #tpu.memory_space<vmem_shared>>, %arg10: memref<!tpu.dma_semaphore, #tpu.memory_space<semaphore_mem>>, %arg11: memref<!tpu.dma_semaphore, #tpu.memory_space<semaphore_mem>>, %arg12: memref<!tpu.dma_semaphore, #tpu.memory_space<semaphore_mem>>, %arg13: memref<!tpu.dma_semaphore, #tpu.memory_space<semaphore_mem>>, %arg14: memref<!tpu.dma_semaphore, #tpu.memory_space<semaphore_mem>>, %arg15: memref<!tpu.dma_semaphore, #tpu.memory_space<semaphore_mem>>) attributes {dimension_semantics = [#tpu.dimension_semantics<core_parallel>, #tpu.dimension_semantics<subcore_parallel>], iteration_bounds = array<i64: 2, 16>, scalar_prefetch = 0 : i64, scratch_operands = 11 : i64, tpu.core_type = #tpu.core_type<sc_vector_subcore>, window_params = [{transform_indices = #map}, {transform_indices = #map1}, {transform_indices = #map2}]} {
    %mul3A = arith.constant 2 : i32
    %mul3A_0 = arith.muli %arg1, %mul3A : i32
    %add3A = arith.addi %mul3A_0, %arg0 : i32
    %dma_start3A = arith.constant 0 : i32
    %dma_start3A_1 = arith.constant 0 : i32
    %dma_start3A_2 = arith.constant 0 : i32
    %dma_start3A_3 = tpu.memref_slice %arg3[%add3A, %dma_start3A, %dma_start3A_1, %dma_start3A_2] : memref<32x125x2x80xi32, #tpu.memory_space<hbm>> -> memref<1x1x2x80xi32, #tpu.memory_space<hbm>>
    %dma_start3A_4 = tpu.memref_squeeze %dma_start3A_3 : memref<1x1x2x80xi32, #tpu.memory_space<hbm>> -> memref<2x80xi32, #tpu.memory_space<hbm>>
    %dma_start3A_5 = arith.constant 0 : i32
    %dma_start3A_6 = arith.constant 0 : i32
    %dma_start3A_7 = tpu.memref_slice %arg3[%add3A, %dma_start3A, %dma_start3A_5, %dma_start3A_6] : memref<32x125x2x80xi32, #tpu.memory_space<hbm>> -> memref<1x1x2x80xi32, #tpu.memory_space<hbm>>
    %dma_start3A_8 = tpu.memref_squeeze %dma_start3A_7 : memref<1x1x2x80xi32, #tpu.memory_space<hbm>> -> memref<2x80xi32, #tpu.memory_space<hbm>>
    tpu.enqueue_dma source(%dma_start3A_8 : memref<2x80xi32, #tpu.memory_space<hbm>>) target(%arg5 : memref<2x80xi32, #tpu.memory_space<vmem>>) target_semaphore(%arg10 : memref<!tpu.dma_semaphore, #tpu.memory_space<semaphore_mem>>)
    %dma_start3A_9 = arith.constant 1 : i32
    %dma_start3A_10 = arith.constant 0 : i32
    %dma_start3A_11 = arith.constant 0 : i32
    %dma_start3A_12 = tpu.memref_slice %arg3[%add3A, %dma_start3A_9, %dma_start3A_10, %dma_start3A_11] : memref<32x125x2x80xi32, #tpu.memory_space<hbm>> -> memref<1x1x2x80xi32, #tpu.memory_space<hbm>>
    %dma_start3A_13 = tpu.memref_squeeze %dma_start3A_12 : memref<1x1x2x80xi32, #tpu.memory_space<hbm>> -> memref<2x80xi32, #tpu.memory_space<hbm>>
    %dma_start3A_14 = arith.constant 0 : i32
    %dma_start3A_15 = arith.constant 0 : i32
    %dma_start3A_16 = tpu.memref_slice %arg3[%add3A, %dma_start3A_9, %dma_start3A_14, %dma_start3A_15] : memref<32x125x2x80xi32, #tpu.memory_space<hbm>> -> memref<1x1x2x80xi32, #tpu.memory_space<hbm>>
    %dma_start3A_17 = tpu.memref_squeeze %dma_start3A_16 : memref<1x1x2x80xi32, #tpu.memory_space<hbm>> -> memref<2x80xi32, #tpu.memory_space<hbm>>
    tpu.enqueue_dma source(%dma_start3A_17 : memref<2x80xi32, #tpu.memory_space<hbm>>) target(%arg6 : memref<2x80xi32, #tpu.memory_space<vmem>>) target_semaphore(%arg11 : memref<!tpu.dma_semaphore, #tpu.memory_space<semaphore_mem>>)
    %scan3A = arith.constant 0 : i32
    %scan3A_18 = arith.constant 80 : i32
    %scan3A_19 = arith.addi %scan3A, %scan3A_18 : i32
    %scan3A_20 = arith.constant 1 : i32
    scf.for %scan3A_169 = %scan3A to %scan3A_19 step %scan3A_20  : i32 {
      %broadcast_in_dim3A = arith.constant 0.000000e+00 : f32
      %broadcast_in_dim3A_170 = vector.broadcast %broadcast_in_dim3A : f32 to vector<16xf32>
      %swap3A = arith.index_cast %scan3A_169 : i32 to index
      %swap3A_171 = arith.constant 0 : index
      %swap3A_172 = tpu.vector_load %arg7[%swap3A, %swap3A_171] {strides = array<i32>} : memref<80x128xf32, #tpu.memory_space<vmem>>, vector<16xf32>,
      tpu.vector_store %arg7[%swap3A, %swap3A_171], %broadcast_in_dim3A_170 {strides = array<i32>} : memref<80x128xf32, #tpu.memory_space<vmem>>, vector<16xf32>,
      %broadcast_in_dim3A_173 = arith.constant 0.000000e+00 : f32
      %broadcast_in_dim3A_174 = vector.broadcast %broadcast_in_dim3A_173 : f32 to vector<16xf32>
      %swap3A_175 = arith.index_cast %scan3A_169 : i32 to index
      %swap3A_176 = arith.constant 16 : index
      %swap3A_177 = tpu.vector_load %arg7[%swap3A_175, %swap3A_176] {strides = array<i32>} : memref<80x128xf32, #tpu.memory_space<vmem>>, vector<16xf32>,
      tpu.vector_store %arg7[%swap3A_175, %swap3A_176], %broadcast_in_dim3A_174 {strides = array<i32>} : memref<80x128xf32, #tpu.memory_space<vmem>>, vector<16xf32>,
      %broadcast_in_dim3A_178 = arith.constant 0.000000e+00 : f32
      %broadcast_in_dim3A_179 = vector.broadcast %broadcast_in_dim3A_178 : f32 to vector<16xf32>
      %swap3A_180 = arith.index_cast %scan3A_169 : i32 to index
      %swap3A_181 = arith.constant 32 : index
      %swap3A_182 = tpu.vector_load %arg7[%swap3A_180, %swap3A_181] {strides = array<i32>} : memref<80x128xf32, #tpu.memory_space<vmem>>, vector<16xf32>,
      tpu.vector_store %arg7[%swap3A_180, %swap3A_181], %broadcast_in_dim3A_179 {strides = array<i32>} : memref<80x128xf32, #tpu.memory_space<vmem>>, vector<16xf32>,
      %broadcast_in_dim3A_183 = arith.constant 0.000000e+00 : f32
      %broadcast_in_dim3A_184 = vector.broadcast %broadcast_in_dim3A_183 : f32 to vector<16xf32>
      %swap3A_185 = arith.index_cast %scan3A_169 : i32 to index
      %swap3A_186 = arith.constant 48 : index
      %swap3A_187 = tpu.vector_load %arg7[%swap3A_185, %swap3A_186] {strides = array<i32>} : memref<80x128xf32, #tpu.memory_space<vmem>>, vector<16xf32>,
      tpu.vector_store %arg7[%swap3A_185, %swap3A_186], %broadcast_in_dim3A_184 {strides = array<i32>} : memref<80x128xf32, #tpu.memory_space<vmem>>, vector<16xf32>,
      %broadcast_in_dim3A_188 = arith.constant 0.000000e+00 : f32
      %broadcast_in_dim3A_189 = vector.broadcast %broadcast_in_dim3A_188 : f32 to vector<16xf32>
      %swap3A_190 = arith.index_cast %scan3A_169 : i32 to index
      %swap3A_191 = arith.constant 64 : index
      %swap3A_192 = tpu.vector_load %arg7[%swap3A_190, %swap3A_191] {strides = array<i32>} : memref<80x128xf32, #tpu.memory_space<vmem>>, vector<16xf32>,
      tpu.vector_store %arg7[%swap3A_190, %swap3A_191], %broadcast_in_dim3A_189 {strides = array<i32>} : memref<80x128xf32, #tpu.memory_space<vmem>>, vector<16xf32>,
      %broadcast_in_dim3A_193 = arith.constant 0.000000e+00 : f32
      %broadcast_in_dim3A_194 = vector.broadcast %broadcast_in_dim3A_193 : f32 to vector<16xf32>
      %swap3A_195 = arith.index_cast %scan3A_169 : i32 to index
      %swap3A_196 = arith.constant 80 : index
      %swap3A_197 = tpu.vector_load %arg7[%swap3A_195, %swap3A_196] {strides = array<i32>} : memref<80x128xf32, #tpu.memory_space<vmem>>, vector<16xf32>,
      tpu.vector_store %arg7[%swap3A_195, %swap3A_196], %broadcast_in_dim3A_194 {strides = array<i32>} : memref<80x128xf32, #tpu.memory_space<vmem>>, vector<16xf32>,
      %broadcast_in_dim3A_198 = arith.constant 0.000000e+00 : f32
      %broadcast_in_dim3A_199 = vector.broadcast %broadcast_in_dim3A_198 : f32 to vector<16xf32>
      %swap3A_200 = arith.index_cast %scan3A_169 : i32 to index
      %swap3A_201 = arith.constant 96 : index
      %swap3A_202 = tpu.vector_load %arg7[%swap3A_200, %swap3A_201] {strides = array<i32>} : memref<80x128xf32, #tpu.memory_space<vmem>>, vector<16xf32>,
      tpu.vector_store %arg7[%swap3A_200, %swap3A_201], %broadcast_in_dim3A_199 {strides = array<i32>} : memref<80x128xf32, #tpu.memory_space<vmem>>, vector<16xf32>,
      %broadcast_in_dim3A_203 = arith.constant 0.000000e+00 : f32
      %broadcast_in_dim3A_204 = vector.broadcast %broadcast_in_dim3A_203 : f32 to vector<16xf32>
      %swap3A_205 = arith.index_cast %scan3A_169 : i32 to index
      %swap3A_206 = arith.constant 112 : index
      %swap3A_207 = tpu.vector_load %arg7[%swap3A_205, %swap3A_206] {strides = array<i32>} : memref<80x128xf32, #tpu.memory_space<vmem>>, vector<16xf32>,
      tpu.vector_store %arg7[%swap3A_205, %swap3A_206], %broadcast_in_dim3A_204 {strides = array<i32>} : memref<80x128xf32, #tpu.memory_space<vmem>>, vector<16xf32>,
    }
    %scan3A_21 = arith.constant 80 : i32
    %mul3A_22 = arith.constant 640 : i32
    %mul3A_23 = arith.muli %arg1, %mul3A_22 : i32
    %add3A_24 = arith.constant 0 : i32
    %add3A_25 = arith.addi %mul3A_23, %add3A_24 : i32
    "tpu.region"() ({
      %run_scoped3A = tpu.sem_alloc : memref<!tpu.dma_semaphore, #tpu.memory_space<semaphore_mem>>
      %dma_start3A_169 = arith.constant 0 : i32
      %dma_start3A_170 = tpu.memref_slice %arg9[%add3A_25, %dma_start3A_169] : memref<10240x128xf32, #tpu.memory_space<vmem_shared>> -> memref<80x128xf32, #tpu.memory_space<vmem_shared>>
      %dma_start3A_171 = arith.constant 0 : i32
      %dma_start3A_172 = tpu.memref_slice %arg9[%add3A_25, %dma_start3A_171] : memref<10240x128xf32, #tpu.memory_space<vmem_shared>> -> memref<80x128xf32, #tpu.memory_space<vmem_shared>>
      tpu.enqueue_dma source(%arg7 : memref<80x128xf32, #tpu.memory_space<vmem>>) target(%dma_start3A_172 : memref<80x128xf32, #tpu.memory_space<vmem_shared>>) target_semaphore(%run_scoped3A : memref<!tpu.dma_semaphore, #tpu.memory_space<semaphore_mem>>)
      %dma_wait3A_173 = arith.constant 0 : i32
      %dma_wait3A_174 = tpu.memref_slice %arg9[%add3A_25, %dma_wait3A_173] : memref<10240x128xf32, #tpu.memory_space<vmem_shared>> -> memref<80x128xf32, #tpu.memory_space<vmem_shared>>
      %dma_wait3A_175 = arith.constant 0 : i32
      %dma_wait3A_176 = tpu.memref_slice %arg9[%add3A_25, %dma_wait3A_175] : memref<10240x128xf32, #tpu.memory_space<vmem_shared>> -> memref<80x128xf32, #tpu.memory_space<vmem_shared>>
      tpu.wait_dma2 semaphore(%run_scoped3A : memref<!tpu.dma_semaphore, #tpu.memory_space<semaphore_mem>>) src(%arg7 : memref<80x128xf32, #tpu.memory_space<vmem>>) dst(%dma_wait3A_176 : memref<80x128xf32, #tpu.memory_space<vmem_shared>>)
      tpu.yield
    }) : () -> ()
    %add3A_26 = arith.constant 80 : i32
    %add3A_27 = arith.addi %mul3A_23, %add3A_26 : i32
    "tpu.region"() ({
      %run_scoped3A = tpu.sem_alloc : memref<!tpu.dma_semaphore, #tpu.memory_space<semaphore_mem>>
      %dma_start3A_169 = arith.constant 0 : i32
      %dma_start3A_170 = tpu.memref_slice %arg9[%add3A_27, %dma_start3A_169] : memref<10240x128xf32, #tpu.memory_space<vmem_shared>> -> memref<80x128xf32, #tpu.memory_space<vmem_shared>>
      %dma_start3A_171 = arith.constant 0 : i32
      %dma_start3A_172 = tpu.memref_slice %arg9[%add3A_27, %dma_start3A_171] : memref<10240x128xf32, #tpu.memory_space<vmem_shared>> -> memref<80x128xf32, #tpu.memory_space<vmem_shared>>
      tpu.enqueue_dma source(%arg7 : memref<80x128xf32, #tpu.memory_space<vmem>>) target(%dma_start3A_172 : memref<80x128xf32, #tpu.memory_space<vmem_shared>>) target_semaphore(%run_scoped3A : memref<!tpu.dma_semaphore, #tpu.memory_space<semaphore_mem>>)
      %dma_wait3A_173 = arith.constant 0 : i32
      %dma_wait3A_174 = tpu.memref_slice %arg9[%add3A_27, %dma_wait3A_173] : memref<10240x128xf32, #tpu.memory_space<vmem_shared>> -> memref<80x128xf32, #tpu.memory_space<vmem_shared>>
      %dma_wait3A_175 = arith.constant 0 : i32
      %dma_wait3A_176 = tpu.memref_slice %arg9[%add3A_27, %dma_wait3A_175] : memref<10240x128xf32, #tpu.memory_space<vmem_shared>> -> memref<80x128xf32, #tpu.memory_space<vmem_shared>>
      tpu.wait_dma2 semaphore(%run_scoped3A : memref<!tpu.dma_semaphore, #tpu.memory_space<semaphore_mem>>) src(%arg7 : memref<80x128xf32, #tpu.memory_space<vmem>>) dst(%dma_wait3A_176 : memref<80x128xf32, #tpu.memory_space<vmem_shared>>)
      tpu.yield
    }) : () -> ()
    %add3A_28 = arith.constant 160 : i32
    %add3A_29 = arith.addi %mul3A_23, %add3A_28 : i32
    "tpu.region"() ({
      %run_scoped3A = tpu.sem_alloc : memref<!tpu.dma_semaphore, #tpu.memory_space<semaphore_mem>>
      %dma_start3A_169 = arith.constant 0 : i32
      %dma_start3A_170 = tpu.memref_slice %arg9[%add3A_29, %dma_start3A_169] : memref<10240x128xf32, #tpu.memory_space<vmem_shared>> -> memref<80x128xf32, #tpu.memory_space<vmem_shared>>
      %dma_start3A_171 = arith.constant 0 : i32
      %dma_start3A_172 = tpu.memref_slice %arg9[%add3A_29, %dma_start3A_171] : memref<10240x128xf32, #tpu.memory_space<vmem_shared>> -> memref<80x128xf32, #tpu.memory_space<vmem_shared>>
      tpu.enqueue_dma source(%arg7 : memref<80x128xf32, #tpu.memory_space<vmem>>) target(%dma_start3A_172 : memref<80x128xf32, #tpu.memory_space<vmem_shared>>) target_semaphore(%run_scoped3A : memref<!tpu.dma_semaphore, #tpu.memory_space<semaphore_mem>>)
      %dma_wait3A_173 = arith.constant 0 : i32
      %dma_wait3A_174 = tpu.memref_slice %arg9[%add3A_29, %dma_wait3A_173] : memref<10240x128xf32, #tpu.memory_space<vmem_shared>> -> memref<80x128xf32, #tpu.memory_space<vmem_shared>>
      %dma_wait3A_175 = arith.constant 0 : i32
      %dma_wait3A_176 = tpu.memref_slice %arg9[%add3A_29, %dma_wait3A_175] : memref<10240x128xf32, #tpu.memory_space<vmem_shared>> -> memref<80x128xf32, #tpu.memory_space<vmem_shared>>
      tpu.wait_dma2 semaphore(%run_scoped3A : memref<!tpu.dma_semaphore, #tpu.memory_space<semaphore_mem>>) src(%arg7 : memref<80x128xf32, #tpu.memory_space<vmem>>) dst(%dma_wait3A_176 : memref<80x128xf32, #tpu.memory_space<vmem_shared>>)
      tpu.yield
    }) : () -> ()
    %add3A_30 = arith.constant 240 : i32
    %add3A_31 = arith.addi %mul3A_23, %add3A_30 : i32
    "tpu.region"() ({
      %run_scoped3A = tpu.sem_alloc : memref<!tpu.dma_semaphore, #tpu.memory_space<semaphore_mem>>
      %dma_start3A_169 = arith.constant 0 : i32
      %dma_start3A_170 = tpu.memref_slice %arg9[%add3A_31, %dma_start3A_169] : memref<10240x128xf32, #tpu.memory_space<vmem_shared>> -> memref<80x128xf32, #tpu.memory_space<vmem_shared>>
      %dma_start3A_171 = arith.constant 0 : i32
      %dma_start3A_172 = tpu.memref_slice %arg9[%add3A_31, %dma_start3A_171] : memref<10240x128xf32, #tpu.memory_space<vmem_shared>> -> memref<80x128xf32, #tpu.memory_space<vmem_shared>>
      tpu.enqueue_dma source(%arg7 : memref<80x128xf32, #tpu.memory_space<vmem>>) target(%dma_start3A_172 : memref<80x128xf32, #tpu.memory_space<vmem_shared>>) target_semaphore(%run_scoped3A : memref<!tpu.dma_semaphore, #tpu.memory_space<semaphore_mem>>)
      %dma_wait3A_173 = arith.constant 0 : i32
      %dma_wait3A_174 = tpu.memref_slice %arg9[%add3A_31, %dma_wait3A_173] : memref<10240x128xf32, #tpu.memory_space<vmem_shared>> -> memref<80x128xf32, #tpu.memory_space<vmem_shared>>
      %dma_wait3A_175 = arith.constant 0 : i32
      %dma_wait3A_176 = tpu.memref_slice %arg9[%add3A_31, %dma_wait3A_175] : memref<10240x128xf32, #tpu.memory_space<vmem_shared>> -> memref<80x128xf32, #tpu.memory_space<vmem_shared>>
      tpu.wait_dma2 semaphore(%run_scoped3A : memref<!tpu.dma_semaphore, #tpu.memory_space<semaphore_mem>>) src(%arg7 : memref<80x128xf32, #tpu.memory_space<vmem>>) dst(%dma_wait3A_176 : memref<80x128xf32, #tpu.memory_space<vmem_shared>>)
      tpu.yield
    }) : () -> ()
    %add3A_32 = arith.constant 320 : i32
    %add3A_33 = arith.addi %mul3A_23, %add3A_32 : i32
    "tpu.region"() ({
      %run_scoped3A = tpu.sem_alloc : memref<!tpu.dma_semaphore, #tpu.memory_space<semaphore_mem>>
      %dma_start3A_169 = arith.constant 0 : i32
      %dma_start3A_170 = tpu.memref_slice %arg9[%add3A_33, %dma_start3A_169] : memref<10240x128xf32, #tpu.memory_space<vmem_shared>> -> memref<80x128xf32, #tpu.memory_space<vmem_shared>>
      %dma_start3A_171 = arith.constant 0 : i32
      %dma_start3A_172 = tpu.memref_slice %arg9[%add3A_33, %dma_start3A_171] : memref<10240x128xf32, #tpu.memory_space<vmem_shared>> -> memref<80x128xf32, #tpu.memory_space<vmem_shared>>
      tpu.enqueue_dma source(%arg7 : memref<80x128xf32, #tpu.memory_space<vmem>>) target(%dma_start3A_172 : memref<80x128xf32, #tpu.memory_space<vmem_shared>>) target_semaphore(%run_scoped3A : memref<!tpu.dma_semaphore, #tpu.memory_space<semaphore_mem>>)
      %dma_wait3A_173 = arith.constant 0 : i32
      %dma_wait3A_174 = tpu.memref_slice %arg9[%add3A_33, %dma_wait3A_173] : memref<10240x128xf32, #tpu.memory_space<vmem_shared>> -> memref<80x128xf32, #tpu.memory_space<vmem_shared>>
      %dma_wait3A_175 = arith.constant 0 : i32
      %dma_wait3A_176 = tpu.memref_slice %arg9[%add3A_33, %dma_wait3A_175] : memref<10240x128xf32, #tpu.memory_space<vmem_shared>> -> memref<80x128xf32, #tpu.memory_space<vmem_shared>>
      tpu.wait_dma2 semaphore(%run_scoped3A : memref<!tpu.dma_semaphore, #tpu.memory_space<semaphore_mem>>) src(%arg7 : memref<80x128xf32, #tpu.memory_space<vmem>>) dst(%dma_wait3A_176 : memref<80x128xf32, #tpu.memory_space<vmem_shared>>)
      tpu.yield
    }) : () -> ()
    %add3A_34 = arith.constant 400 : i32
    %add3A_35 = arith.addi %mul3A_23, %add3A_34 : i32
    "tpu.region"() ({
      %run_scoped3A = tpu.sem_alloc : memref<!tpu.dma_semaphore, #tpu.memory_space<semaphore_mem>>
      %dma_start3A_169 = arith.constant 0 : i32
      %dma_start3A_170 = tpu.memref_slice %arg9[%add3A_35, %dma_start3A_169] : memref<10240x128xf32, #tpu.memory_space<vmem_shared>> -> memref<80x128xf32, #tpu.memory_space<vmem_shared>>
      %dma_start3A_171 = arith.constant 0 : i32
      %dma_start3A_172 = tpu.memref_slice %arg9[%add3A_35, %dma_start3A_171] : memref<10240x128xf32, #tpu.memory_space<vmem_shared>> -> memref<80x128xf32, #tpu.memory_space<vmem_shared>>
      tpu.enqueue_dma source(%arg7 : memref<80x128xf32, #tpu.memory_space<vmem>>) target(%dma_start3A_172 : memref<80x128xf32, #tpu.memory_space<vmem_shared>>) target_semaphore(%run_scoped3A : memref<!tpu.dma_semaphore, #tpu.memory_space<semaphore_mem>>)
      %dma_wait3A_173 = arith.constant 0 : i32
      %dma_wait3A_174 = tpu.memref_slice %arg9[%add3A_35, %dma_wait3A_173] : memref<10240x128xf32, #tpu.memory_space<vmem_shared>> -> memref<80x128xf32, #tpu.memory_space<vmem_shared>>
      %dma_wait3A_175 = arith.constant 0 : i32
      %dma_wait3A_176 = tpu.memref_slice %arg9[%add3A_35, %dma_wait3A_175] : memref<10240x128xf32, #tpu.memory_space<vmem_shared>> -> memref<80x128xf32, #tpu.memory_space<vmem_shared>>
      tpu.wait_dma2 semaphore(%run_scoped3A : memref<!tpu.dma_semaphore, #tpu.memory_space<semaphore_mem>>) src(%arg7 : memref<80x128xf32, #tpu.memory_space<vmem>>) dst(%dma_wait3A_176 : memref<80x128xf32, #tpu.memory_space<vmem_shared>>)
      tpu.yield
    }) : () -> ()
    %add3A_36 = arith.constant 480 : i32
    %add3A_37 = arith.addi %mul3A_23, %add3A_36 : i32
    "tpu.region"() ({
      %run_scoped3A = tpu.sem_alloc : memref<!tpu.dma_semaphore, #tpu.memory_space<semaphore_mem>>
      %dma_start3A_169 = arith.constant 0 : i32
      %dma_start3A_170 = tpu.memref_slice %arg9[%add3A_37, %dma_start3A_169] : memref<10240x128xf32, #tpu.memory_space<vmem_shared>> -> memref<80x128xf32, #tpu.memory_space<vmem_shared>>
      %dma_start3A_171 = arith.constant 0 : i32
      %dma_start3A_172 = tpu.memref_slice %arg9[%add3A_37, %dma_start3A_171] : memref<10240x128xf32, #tpu.memory_space<vmem_shared>> -> memref<80x128xf32, #tpu.memory_space<vmem_shared>>
      tpu.enqueue_dma source(%arg7 : memref<80x128xf32, #tpu.memory_space<vmem>>) target(%dma_start3A_172 : memref<80x128xf32, #tpu.memory_space<vmem_shared>>) target_semaphore(%run_scoped3A : memref<!tpu.dma_semaphore, #tpu.memory_space<semaphore_mem>>)
      %dma_wait3A_173 = arith.constant 0 : i32
      %dma_wait3A_174 = tpu.memref_slice %arg9[%add3A_37, %dma_wait3A_173] : memref<10240x128xf32, #tpu.memory_space<vmem_shared>> -> memref<80x128xf32, #tpu.memory_space<vmem_shared>>
      %dma_wait3A_175 = arith.constant 0 : i32
      %dma_wait3A_176 = tpu.memref_slice %arg9[%add3A_37, %dma_wait3A_175] : memref<10240x128xf32, #tpu.memory_space<vmem_shared>> -> memref<80x128xf32, #tpu.memory_space<vmem_shared>>
      tpu.wait_dma2 semaphore(%run_scoped3A : memref<!tpu.dma_semaphore, #tpu.memory_space<semaphore_mem>>) src(%arg7 : memref<80x128xf32, #tpu.memory_space<vmem>>) dst(%dma_wait3A_176 : memref<80x128xf32, #tpu.memory_space<vmem_shared>>)
      tpu.yield
    }) : () -> ()
    %add3A_38 = arith.constant 560 : i32
    %add3A_39 = arith.addi %mul3A_23, %add3A_38 : i32
    "tpu.region"() ({
      %run_scoped3A = tpu.sem_alloc : memref<!tpu.dma_semaphore, #tpu.memory_space<semaphore_mem>>
      %dma_start3A_169 = arith.constant 0 : i32
      %dma_start3A_170 = tpu.memref_slice %arg9[%add3A_39, %dma_start3A_169] : memref<10240x128xf32, #tpu.memory_space<vmem_shared>> -> memref<80x128xf32, #tpu.memory_space<vmem_shared>>
      %dma_start3A_171 = arith.constant 0 : i32
      %dma_start3A_172 = tpu.memref_slice %arg9[%add3A_39, %dma_start3A_171] : memref<10240x128xf32, #tpu.memory_space<vmem_shared>> -> memref<80x128xf32, #tpu.memory_space<vmem_shared>>
      tpu.enqueue_dma source(%arg7 : memref<80x128xf32, #tpu.memory_space<vmem>>) target(%dma_start3A_172 : memref<80x128xf32, #tpu.memory_space<vmem_shared>>) target_semaphore(%run_scoped3A : memref<!tpu.dma_semaphore, #tpu.memory_space<semaphore_mem>>)
      %dma_wait3A_173 = arith.constant 0 : i32
      %dma_wait3A_174 = tpu.memref_slice %arg9[%add3A_39, %dma_wait3A_173] : memref<10240x128xf32, #tpu.memory_space<vmem_shared>> -> memref<80x128xf32, #tpu.memory_space<vmem_shared>>
      %dma_wait3A_175 = arith.constant 0 : i32
      %dma_wait3A_176 = tpu.memref_slice %arg9[%add3A_39, %dma_wait3A_175] : memref<10240x128xf32, #tpu.memory_space<vmem_shared>> -> memref<80x128xf32, #tpu.memory_space<vmem_shared>>
      tpu.wait_dma2 semaphore(%run_scoped3A : memref<!tpu.dma_semaphore, #tpu.memory_space<semaphore_mem>>) src(%arg7 : memref<80x128xf32, #tpu.memory_space<vmem>>) dst(%dma_wait3A_176 : memref<80x128xf32, #tpu.memory_space<vmem_shared>>)
      tpu.yield
    }) : () -> ()
    %barrier3A = arith.constant 0 : index
    tpu.barrier barrier_id(%barrier3A)
    %dma_wait3A = arith.constant 0 : i32
    %dma_wait3A_40 = arith.constant 0 : i32
    %dma_wait3A_41 = arith.constant 0 : i32
    %dma_wait3A_42 = tpu.memref_slice %arg3[%add3A, %dma_wait3A, %dma_wait3A_40, %dma_wait3A_41] : memref<32x125x2x80xi32, #tpu.memory_space<hbm>> -> memref<1x1x2x80xi32, #tpu.memory_space<hbm>>
    %dma_wait3A_43 = tpu.memref_squeeze %dma_wait3A_42 : memref<1x1x2x80xi32, #tpu.memory_space<hbm>> -> memref<2x80xi32, #tpu.memory_space<hbm>>
    %dma_wait3A_44 = arith.constant 0 : i32
    %dma_wait3A_45 = arith.constant 0 : i32
    %dma_wait3A_46 = tpu.memref_slice %arg3[%add3A, %dma_wait3A, %dma_wait3A_44, %dma_wait3A_45] : memref<32x125x2x80xi32, #tpu.memory_space<hbm>> -> memref<1x1x2x80xi32, #tpu.memory_space<hbm>>
    %dma_wait3A_47 = tpu.memref_squeeze %dma_wait3A_46 : memref<1x1x2x80xi32, #tpu.memory_space<hbm>> -> memref<2x80xi32, #tpu.memory_space<hbm>>
    tpu.wait_dma2 semaphore(%arg10 : memref<!tpu.dma_semaphore, #tpu.memory_space<semaphore_mem>>) src(%dma_wait3A_47 : memref<2x80xi32, #tpu.memory_space<hbm>>) dst(%arg5 : memref<2x80xi32, #tpu.memory_space<vmem>>)
    %dma_start3A_48 = arith.constant 0 : i32
    %dma_start3A_49 = arith.constant 0 : i32
    %dma_start3A_50 = tpu.memref_slice %arg5[%dma_start3A_48, %dma_start3A_49] : memref<2x80xi32, #tpu.memory_space<vmem>> -> memref<1x80xi32, #tpu.memory_space<vmem>>
    %dma_start3A_51 = tpu.memref_squeeze %dma_start3A_50 : memref<1x80xi32, #tpu.memory_space<vmem>> -> memref<80xi32, #tpu.memory_space<vmem>>
    %dma_start3A_52 = arith.constant 0 : i32
    %dma_start3A_53 = arith.constant 0 : i32
    %dma_start3A_54 = tpu.memref_slice %arg2[%dma_start3A_52, %dma_start3A_53] : memref<10240x128xf32, #tpu.memory_space<hbm>> -> memref<10240x128xf32, #tpu.memory_space<hbm>>
    tpu.enqueue_indirect_dma source(%dma_start3A_54 : memref<10240x128xf32, #tpu.memory_space<hbm>>) target(%arg7 : memref<80x128xf32, #tpu.memory_space<vmem>>) offsets(%dma_start3A_51 : memref<80xi32, #tpu.memory_space<vmem>>) semaphore(%arg12 : memref<!tpu.dma_semaphore, #tpu.memory_space<semaphore_mem>>)
    %dma_wait3A_55 = arith.constant 0 : i32
    %dma_wait3A_56 = arith.constant 0 : i32
    %dma_wait3A_57 = arith.constant 0 : i32
    %dma_wait3A_58 = tpu.memref_slice %arg3[%add3A, %dma_wait3A_55, %dma_wait3A_56, %dma_wait3A_57] : memref<32x125x2x80xi32, #tpu.memory_space<hbm>> -> memref<1x1x2x80xi32, #tpu.memory_space<hbm>>
    %dma_wait3A_59 = tpu.memref_squeeze %dma_wait3A_58 : memref<1x1x2x80xi32, #tpu.memory_space<hbm>> -> memref<2x80xi32, #tpu.memory_space<hbm>>
    %dma_wait3A_60 = arith.constant 0 : i32
    %dma_wait3A_61 = arith.constant 0 : i32
    %dma_wait3A_62 = tpu.memref_slice %arg3[%add3A, %dma_wait3A_55, %dma_wait3A_60, %dma_wait3A_61] : memref<32x125x2x80xi32, #tpu.memory_space<hbm>> -> memref<1x1x2x80xi32, #tpu.memory_space<hbm>>
    %dma_wait3A_63 = tpu.memref_squeeze %dma_wait3A_62 : memref<1x1x2x80xi32, #tpu.memory_space<hbm>> -> memref<2x80xi32, #tpu.memory_space<hbm>>
    tpu.wait_dma2 semaphore(%arg11 : memref<!tpu.dma_semaphore, #tpu.memory_space<semaphore_mem>>) src(%dma_wait3A_63 : memref<2x80xi32, #tpu.memory_space<hbm>>) dst(%arg6 : memref<2x80xi32, #tpu.memory_space<vmem>>)
    %dma_start3A_64 = arith.constant 0 : i32
    %dma_start3A_65 = arith.constant 0 : i32
    %dma_start3A_66 = tpu.memref_slice %arg6[%dma_start3A_64, %dma_start3A_65] : memref<2x80xi32, #tpu.memory_space<vmem>> -> memref<1x80xi32, #tpu.memory_space<vmem>>
    %dma_start3A_67 = tpu.memref_squeeze %dma_start3A_66 : memref<1x80xi32, #tpu.memory_space<vmem>> -> memref<80xi32, #tpu.memory_space<vmem>>
    %dma_start3A_68 = arith.constant 0 : i32
    %dma_start3A_69 = arith.constant 0 : i32
    %dma_start3A_70 = tpu.memref_slice %arg2[%dma_start3A_68, %dma_start3A_69] : memref<10240x128xf32, #tpu.memory_space<hbm>> -> memref<10240x128xf32, #tpu.memory_space<hbm>>
    tpu.enqueue_indirect_dma source(%dma_start3A_70 : memref<10240x128xf32, #tpu.memory_space<hbm>>) target(%arg8 : memref<80x128xf32, #tpu.memory_space<vmem>>) offsets(%dma_start3A_67 : memref<80xi32, #tpu.memory_space<vmem>>) semaphore(%arg13 : memref<!tpu.dma_semaphore, #tpu.memory_space<semaphore_mem>>)
    %scan3A_71 = arith.constant 0 : i32
    %scan3A_72 = arith.constant 61 : i32
    %scan3A_73 = arith.addi %scan3A_71, %scan3A_72 : i32
    %scan3A_74 = arith.constant 1 : i32
    scf.for %scan3A_169 = %scan3A_71 to %scan3A_73 step %scan3A_74  : i32 {
      %mul3A_170 = arith.constant 2 : i32
      %mul3A_171 = arith.muli %mul3A_170, %scan3A_169 : i32
      %dma_wait3A_172 = arith.constant 0 : i32
      %dma_wait3A_173 = arith.constant 0 : i32
      %dma_wait3A_174 = tpu.memref_slice %arg5[%dma_wait3A_172, %dma_wait3A_173] : memref<2x80xi32, #tpu.memory_space<vmem>> -> memref<1x80xi32, #tpu.memory_space<vmem>>
      %dma_wait3A_175 = tpu.memref_squeeze %dma_wait3A_174 : memref<1x80xi32, #tpu.memory_space<vmem>> -> memref<80xi32, #tpu.memory_space<vmem>>
      %dma_wait3A_176 = arith.constant 0 : i32
      %dma_wait3A_177 = arith.constant 0 : i32
      %dma_wait3A_178 = tpu.memref_slice %arg2[%dma_wait3A_176, %dma_wait3A_177] : memref<10240x128xf32, #tpu.memory_space<hbm>> -> memref<10240x128xf32, #tpu.memory_space<hbm>>
      tpu.wait_indirect_dma semaphore(%arg12 : memref<!tpu.dma_semaphore, #tpu.memory_space<semaphore_mem>>) src(%dma_wait3A_178 : memref<10240x128xf32, #tpu.memory_space<hbm>>) dst(%arg7 : memref<80x128xf32, #tpu.memory_space<vmem>>)
      %dma_start3A_179 = arith.constant 1 : i32
      %dma_start3A_180 = arith.constant 0 : i32
      %dma_start3A_181 = tpu.memref_slice %arg5[%dma_start3A_179, %dma_start3A_180] : memref<2x80xi32, #tpu.memory_space<vmem>> -> memref<1x80xi32, #tpu.memory_space<vmem>>
      %dma_start3A_182 = tpu.memref_squeeze %dma_start3A_181 : memref<1x80xi32, #tpu.memory_space<vmem>> -> memref<80xi32, #tpu.memory_space<vmem>>
      %dma_start3A_183 = arith.constant 0 : i32
      %dma_start3A_184 = arith.constant 0 : i32
      %dma_start3A_185 = tpu.memref_slice %arg9[%dma_start3A_183, %dma_start3A_184] : memref<10240x128xf32, #tpu.memory_space<vmem_shared>> -> memref<10240x128xf32, #tpu.memory_space<vmem_shared>>
      tpu.enqueue_indirect_dma source(%arg7 : memref<80x128xf32, #tpu.memory_space<vmem>>) target(%dma_start3A_185 : memref<10240x128xf32, #tpu.memory_space<vmem_shared>>) offsets(%dma_start3A_182 : memref<80xi32, #tpu.memory_space<vmem>>) semaphore(%arg14 : memref<!tpu.dma_semaphore, #tpu.memory_space<semaphore_mem>>) {add = true}
      %dma_wait3A_186 = arith.constant 1 : i32
      %dma_wait3A_187 = arith.constant 0 : i32
      %dma_wait3A_188 = tpu.memref_slice %arg5[%dma_wait3A_186, %dma_wait3A_187] : memref<2x80xi32, #tpu.memory_space<vmem>> -> memref<1x80xi32, #tpu.memory_space<vmem>>
      %dma_wait3A_189 = tpu.memref_squeeze %dma_wait3A_188 : memref<1x80xi32, #tpu.memory_space<vmem>> -> memref<80xi32, #tpu.memory_space<vmem>>
      %dma_wait3A_190 = arith.constant 0 : i32
      %dma_wait3A_191 = arith.constant 0 : i32
      %dma_wait3A_192 = tpu.memref_slice %arg9[%dma_wait3A_190, %dma_wait3A_191] : memref<10240x128xf32, #tpu.memory_space<vmem_shared>> -> memref<10240x128xf32, #tpu.memory_space<vmem_shared>>
      tpu.wait_indirect_dma semaphore(%arg14 : memref<!tpu.dma_semaphore, #tpu.memory_space<semaphore_mem>>) src(%arg7 : memref<80x128xf32, #tpu.memory_space<vmem>>) dst(%dma_wait3A_192 : memref<10240x128xf32, #tpu.memory_space<vmem_shared>>)
      %add3A_193 = arith.constant 2 : i32
      %add3A_194 = arith.addi %mul3A_171, %add3A_193 : i32
      %dma_start3A_195 = arith.constant 0 : i32
      %dma_start3A_196 = arith.constant 0 : i32
      %dma_start3A_197 = tpu.memref_slice %arg3[%add3A, %add3A_194, %dma_start3A_195, %dma_start3A_196] : memref<32x125x2x80xi32, #tpu.memory_space<hbm>> -> memref<1x1x2x80xi32, #tpu.memory_space<hbm>>
      %dma_start3A_198 = tpu.memref_squeeze %dma_start3A_197 : memref<1x1x2x80xi32, #tpu.memory_space<hbm>> -> memref<2x80xi32, #tpu.memory_space<hbm>>
      %dma_start3A_199 = arith.constant 0 : i32
      %dma_start3A_200 = arith.constant 0 : i32
      %dma_start3A_201 = tpu.memref_slice %arg3[%add3A, %add3A_194, %dma_start3A_199, %dma_start3A_200] : memref<32x125x2x80xi32, #tpu.memory_space<hbm>> -> memref<1x1x2x80xi32, #tpu.memory_space<hbm>>
      %dma_start3A_202 = tpu.memref_squeeze %dma_start3A_201 : memref<1x1x2x80xi32, #tpu.memory_space<hbm>> -> memref<2x80xi32, #tpu.memory_space<hbm>>
      tpu.enqueue_dma source(%dma_start3A_202 : memref<2x80xi32, #tpu.memory_space<hbm>>) target(%arg5 : memref<2x80xi32, #tpu.memory_space<vmem>>) target_semaphore(%arg10 : memref<!tpu.dma_semaphore, #tpu.memory_space<semaphore_mem>>)
      %dma_wait3A_203 = arith.constant 0 : i32
      %dma_wait3A_204 = arith.constant 0 : i32
      %dma_wait3A_205 = arith.constant 0 : i32
      %dma_wait3A_206 = tpu.memref_slice %arg3[%add3A, %dma_wait3A_203, %dma_wait3A_204, %dma_wait3A_205] : memref<32x125x2x80xi32, #tpu.memory_space<hbm>> -> memref<1x1x2x80xi32, #tpu.memory_space<hbm>>
      %dma_wait3A_207 = tpu.memref_squeeze %dma_wait3A_206 : memref<1x1x2x80xi32, #tpu.memory_space<hbm>> -> memref<2x80xi32, #tpu.memory_space<hbm>>
      %dma_wait3A_208 = arith.constant 0 : i32
      %dma_wait3A_209 = arith.constant 0 : i32
      %dma_wait3A_210 = tpu.memref_slice %arg3[%add3A, %dma_wait3A_203, %dma_wait3A_208, %dma_wait3A_209] : memref<32x125x2x80xi32, #tpu.memory_space<hbm>> -> memref<1x1x2x80xi32, #tpu.memory_space<hbm>>
      %dma_wait3A_211 = tpu.memref_squeeze %dma_wait3A_210 : memref<1x1x2x80xi32, #tpu.memory_space<hbm>> -> memref<2x80xi32, #tpu.memory_space<hbm>>
      tpu.wait_dma2 semaphore(%arg10 : memref<!tpu.dma_semaphore, #tpu.memory_space<semaphore_mem>>) src(%dma_wait3A_211 : memref<2x80xi32, #tpu.memory_space<hbm>>) dst(%arg5 : memref<2x80xi32, #tpu.memory_space<vmem>>)
      %dma_start3A_212 = arith.constant 0 : i32
      %dma_start3A_213 = arith.constant 0 : i32
      %dma_start3A_214 = tpu.memref_slice %arg5[%dma_start3A_212, %dma_start3A_213] : memref<2x80xi32, #tpu.memory_space<vmem>> -> memref<1x80xi32, #tpu.memory_space<vmem>>
      %dma_start3A_215 = tpu.memref_squeeze %dma_start3A_214 : memref<1x80xi32, #tpu.memory_space<vmem>> -> memref<80xi32, #tpu.memory_space<vmem>>
      %dma_start3A_216 = arith.constant 0 : i32
      %dma_start3A_217 = arith.constant 0 : i32
      %dma_start3A_218 = tpu.memref_slice %arg2[%dma_start3A_216, %dma_start3A_217] : memref<10240x128xf32, #tpu.memory_space<hbm>> -> memref<10240x128xf32, #tpu.memory_space<hbm>>
      tpu.enqueue_indirect_dma source(%dma_start3A_218 : memref<10240x128xf32, #tpu.memory_space<hbm>>) target(%arg7 : memref<80x128xf32, #tpu.memory_space<vmem>>) offsets(%dma_start3A_215 : memref<80xi32, #tpu.memory_space<vmem>>) semaphore(%arg12 : memref<!tpu.dma_semaphore, #tpu.memory_space<semaphore_mem>>)
      %dma_wait3A_219 = arith.constant 0 : i32
      %dma_wait3A_220 = arith.constant 0 : i32
      %dma_wait3A_221 = tpu.memref_slice %arg6[%dma_wait3A_219, %dma_wait3A_220] : memref<2x80xi32, #tpu.memory_space<vmem>> -> memref<1x80xi32, #tpu.memory_space<vmem>>
      %dma_wait3A_222 = tpu.memref_squeeze %dma_wait3A_221 : memref<1x80xi32, #tpu.memory_space<vmem>> -> memref<80xi32, #tpu.memory_space<vmem>>
      %dma_wait3A_223 = arith.constant 0 : i32
      %dma_wait3A_224 = arith.constant 0 : i32
      %dma_wait3A_225 = tpu.memref_slice %arg2[%dma_wait3A_223, %dma_wait3A_224] : memref<10240x128xf32, #tpu.memory_space<hbm>> -> memref<10240x128xf32, #tpu.memory_space<hbm>>
      tpu.wait_indirect_dma semaphore(%arg13 : memref<!tpu.dma_semaphore, #tpu.memory_space<semaphore_mem>>) src(%dma_wait3A_225 : memref<10240x128xf32, #tpu.memory_space<hbm>>) dst(%arg8 : memref<80x128xf32, #tpu.memory_space<vmem>>)
      %dma_start3A_226 = arith.constant 1 : i32
      %dma_start3A_227 = arith.constant 0 : i32
      %dma_start3A_228 = tpu.memref_slice %arg6[%dma_start3A_226, %dma_start3A_227] : memref<2x80xi32, #tpu.memory_space<vmem>> -> memref<1x80xi32, #tpu.memory_space<vmem>>
      %dma_start3A_229 = tpu.memref_squeeze %dma_start3A_228 : memref<1x80xi32, #tpu.memory_space<vmem>> -> memref<80xi32, #tpu.memory_space<vmem>>
      %dma_start3A_230 = arith.constant 0 : i32
      %dma_start3A_231 = arith.constant 0 : i32
      %dma_start3A_232 = tpu.memref_slice %arg9[%dma_start3A_230, %dma_start3A_231] : memref<10240x128xf32, #tpu.memory_space<vmem_shared>> -> memref<10240x128xf32, #tpu.memory_space<vmem_shared>>
      tpu.enqueue_indirect_dma source(%arg8 : memref<80x128xf32, #tpu.memory_space<vmem>>) target(%dma_start3A_232 : memref<10240x128xf32, #tpu.memory_space<vmem_shared>>) offsets(%dma_start3A_229 : memref<80xi32, #tpu.memory_space<vmem>>) semaphore(%arg15 : memref<!tpu.dma_semaphore, #tpu.memory_space<semaphore_mem>>) {add = true}
      %dma_wait3A_233 = arith.constant 1 : i32
      %dma_wait3A_234 = arith.constant 0 : i32
      %dma_wait3A_235 = tpu.memref_slice %arg6[%dma_wait3A_233, %dma_wait3A_234] : memref<2x80xi32, #tpu.memory_space<vmem>> -> memref<1x80xi32, #tpu.memory_space<vmem>>
      %dma_wait3A_236 = tpu.memref_squeeze %dma_wait3A_235 : memref<1x80xi32, #tpu.memory_space<vmem>> -> memref<80xi32, #tpu.memory_space<vmem>>
      %dma_wait3A_237 = arith.constant 0 : i32
      %dma_wait3A_238 = arith.constant 0 : i32
      %dma_wait3A_239 = tpu.memref_slice %arg9[%dma_wait3A_237, %dma_wait3A_238] : memref<10240x128xf32, #tpu.memory_space<vmem_shared>> -> memref<10240x128xf32, #tpu.memory_space<vmem_shared>>
      tpu.wait_indirect_dma semaphore(%arg15 : memref<!tpu.dma_semaphore, #tpu.memory_space<semaphore_mem>>) src(%arg8 : memref<80x128xf32, #tpu.memory_space<vmem>>) dst(%dma_wait3A_239 : memref<10240x128xf32, #tpu.memory_space<vmem_shared>>)
      %add3A_240 = arith.constant 3 : i32
      %add3A_241 = arith.addi %mul3A_171, %add3A_240 : i32
      %dma_start3A_242 = arith.constant 0 : i32
      %dma_start3A_243 = arith.constant 0 : i32
      %dma_start3A_244 = tpu.memref_slice %arg3[%add3A, %add3A_241, %dma_start3A_242, %dma_start3A_243] : memref<32x125x2x80xi32, #tpu.memory_space<hbm>> -> memref<1x1x2x80xi32, #tpu.memory_space<hbm>>
      %dma_start3A_245 = tpu.memref_squeeze %dma_start3A_244 : memref<1x1x2x80xi32, #tpu.memory_space<hbm>> -> memref<2x80xi32, #tpu.memory_space<hbm>>
      %dma_start3A_246 = arith.constant 0 : i32
      %dma_start3A_247 = arith.constant 0 : i32
      %dma_start3A_248 = tpu.memref_slice %arg3[%add3A, %add3A_241, %dma_start3A_246, %dma_start3A_247] : memref<32x125x2x80xi32, #tpu.memory_space<hbm>> -> memref<1x1x2x80xi32, #tpu.memory_space<hbm>>
      %dma_start3A_249 = tpu.memref_squeeze %dma_start3A_248 : memref<1x1x2x80xi32, #tpu.memory_space<hbm>> -> memref<2x80xi32, #tpu.memory_space<hbm>>
      tpu.enqueue_dma source(%dma_start3A_249 : memref<2x80xi32, #tpu.memory_space<hbm>>) target(%arg6 : memref<2x80xi32, #tpu.memory_space<vmem>>) target_semaphore(%arg11 : memref<!tpu.dma_semaphore, #tpu.memory_space<semaphore_mem>>)
      %dma_wait3A_250 = arith.constant 0 : i32
      %dma_wait3A_251 = arith.constant 0 : i32
      %dma_wait3A_252 = arith.constant 0 : i32
      %dma_wait3A_253 = tpu.memref_slice %arg3[%add3A, %dma_wait3A_250, %dma_wait3A_251, %dma_wait3A_252] : memref<32x125x2x80xi32, #tpu.memory_space<hbm>> -> memref<1x1x2x80xi32, #tpu.memory_space<hbm>>
      %dma_wait3A_254 = tpu.memref_squeeze %dma_wait3A_253 : memref<1x1x2x80xi32, #tpu.memory_space<hbm>> -> memref<2x80xi32, #tpu.memory_space<hbm>>
      %dma_wait3A_255 = arith.constant 0 : i32
      %dma_wait3A_256 = arith.constant 0 : i32
      %dma_wait3A_257 = tpu.memref_slice %arg3[%add3A, %dma_wait3A_250, %dma_wait3A_255, %dma_wait3A_256] : memref<32x125x2x80xi32, #tpu.memory_space<hbm>> -> memref<1x1x2x80xi32, #tpu.memory_space<hbm>>
      %dma_wait3A_258 = tpu.memref_squeeze %dma_wait3A_257 : memref<1x1x2x80xi32, #tpu.memory_space<hbm>> -> memref<2x80xi32, #tpu.memory_space<hbm>>
      tpu.wait_dma2 semaphore(%arg11 : memref<!tpu.dma_semaphore, #tpu.memory_space<semaphore_mem>>) src(%dma_wait3A_258 : memref<2x80xi32, #tpu.memory_space<hbm>>) dst(%arg6 : memref<2x80xi32, #tpu.memory_space<vmem>>)
      %dma_start3A_259 = arith.constant 0 : i32
      %dma_start3A_260 = arith.constant 0 : i32
      %dma_start3A_261 = tpu.memref_slice %arg6[%dma_start3A_259, %dma_start3A_260] : memref<2x80xi32, #tpu.memory_space<vmem>> -> memref<1x80xi32, #tpu.memory_space<vmem>>
      %dma_start3A_262 = tpu.memref_squeeze %dma_start3A_261 : memref<1x80xi32, #tpu.memory_space<vmem>> -> memref<80xi32, #tpu.memory_space<vmem>>
      %dma_start3A_263 = arith.constant 0 : i32
      %dma_start3A_264 = arith.constant 0 : i32
      %dma_start3A_265 = tpu.memref_slice %arg2[%dma_start3A_263, %dma_start3A_264] : memref<10240x128xf32, #tpu.memory_space<hbm>> -> memref<10240x128xf32, #tpu.memory_space<hbm>>
      tpu.enqueue_indirect_dma source(%dma_start3A_265 : memref<10240x128xf32, #tpu.memory_space<hbm>>) target(%arg8 : memref<80x128xf32, #tpu.memory_space<vmem>>) offsets(%dma_start3A_262 : memref<80xi32, #tpu.memory_space<vmem>>) semaphore(%arg13 : memref<!tpu.dma_semaphore, #tpu.memory_space<semaphore_mem>>)
    }
    %scan3A_75 = arith.constant 61 : i32
    %dma_wait3A_76 = arith.constant 0 : i32
    %dma_wait3A_77 = arith.constant 0 : i32
    %dma_wait3A_78 = tpu.memref_slice %arg5[%dma_wait3A_76, %dma_wait3A_77] : memref<2x80xi32, #tpu.memory_space<vmem>> -> memref<1x80xi32, #tpu.memory_space<vmem>>
    %dma_wait3A_79 = tpu.memref_squeeze %dma_wait3A_78 : memref<1x80xi32, #tpu.memory_space<vmem>> -> memref<80xi32, #tpu.memory_space<vmem>>
    %dma_wait3A_80 = arith.constant 0 : i32
    %dma_wait3A_81 = arith.constant 0 : i32
    %dma_wait3A_82 = tpu.memref_slice %arg2[%dma_wait3A_80, %dma_wait3A_81] : memref<10240x128xf32, #tpu.memory_space<hbm>> -> memref<10240x128xf32, #tpu.memory_space<hbm>>
    tpu.wait_indirect_dma semaphore(%arg12 : memref<!tpu.dma_semaphore, #tpu.memory_space<semaphore_mem>>) src(%dma_wait3A_82 : memref<10240x128xf32, #tpu.memory_space<hbm>>) dst(%arg7 : memref<80x128xf32, #tpu.memory_space<vmem>>)
    %dma_start3A_83 = arith.constant 1 : i32
    %dma_start3A_84 = arith.constant 0 : i32
    %dma_start3A_85 = tpu.memref_slice %arg5[%dma_start3A_83, %dma_start3A_84] : memref<2x80xi32, #tpu.memory_space<vmem>> -> memref<1x80xi32, #tpu.memory_space<vmem>>
    %dma_start3A_86 = tpu.memref_squeeze %dma_start3A_85 : memref<1x80xi32, #tpu.memory_space<vmem>> -> memref<80xi32, #tpu.memory_space<vmem>>
    %dma_start3A_87 = arith.constant 0 : i32
    %dma_start3A_88 = arith.constant 0 : i32
    %dma_start3A_89 = tpu.memref_slice %arg9[%dma_start3A_87, %dma_start3A_88] : memref<10240x128xf32, #tpu.memory_space<vmem_shared>> -> memref<10240x128xf32, #tpu.memory_space<vmem_shared>>
    tpu.enqueue_indirect_dma source(%arg7 : memref<80x128xf32, #tpu.memory_space<vmem>>) target(%dma_start3A_89 : memref<10240x128xf32, #tpu.memory_space<vmem_shared>>) offsets(%dma_start3A_86 : memref<80xi32, #tpu.memory_space<vmem>>) semaphore(%arg14 : memref<!tpu.dma_semaphore, #tpu.memory_space<semaphore_mem>>) {add = true}
    %dma_wait3A_90 = arith.constant 1 : i32
    %dma_wait3A_91 = arith.constant 0 : i32
    %dma_wait3A_92 = tpu.memref_slice %arg5[%dma_wait3A_90, %dma_wait3A_91] : memref<2x80xi32, #tpu.memory_space<vmem>> -> memref<1x80xi32, #tpu.memory_space<vmem>>
    %dma_wait3A_93 = tpu.memref_squeeze %dma_wait3A_92 : memref<1x80xi32, #tpu.memory_space<vmem>> -> memref<80xi32, #tpu.memory_space<vmem>>
    %dma_wait3A_94 = arith.constant 0 : i32
    %dma_wait3A_95 = arith.constant 0 : i32
    %dma_wait3A_96 = tpu.memref_slice %arg9[%dma_wait3A_94, %dma_wait3A_95] : memref<10240x128xf32, #tpu.memory_space<vmem_shared>> -> memref<10240x128xf32, #tpu.memory_space<vmem_shared>>
    tpu.wait_indirect_dma semaphore(%arg14 : memref<!tpu.dma_semaphore, #tpu.memory_space<semaphore_mem>>) src(%arg7 : memref<80x128xf32, #tpu.memory_space<vmem>>) dst(%dma_wait3A_96 : memref<10240x128xf32, #tpu.memory_space<vmem_shared>>)
    %dma_start3A_97 = arith.constant 124 : i32
    %dma_start3A_98 = arith.constant 0 : i32
    %dma_start3A_99 = arith.constant 0 : i32
    %dma_start3A_100 = tpu.memref_slice %arg3[%add3A, %dma_start3A_97, %dma_start3A_98, %dma_start3A_99] : memref<32x125x2x80xi32, #tpu.memory_space<hbm>> -> memref<1x1x2x80xi32, #tpu.memory_space<hbm>>
    %dma_start3A_101 = tpu.memref_squeeze %dma_start3A_100 : memref<1x1x2x80xi32, #tpu.memory_space<hbm>> -> memref<2x80xi32, #tpu.memory_space<hbm>>
    %dma_start3A_102 = arith.constant 0 : i32
    %dma_start3A_103 = arith.constant 0 : i32
    %dma_start3A_104 = tpu.memref_slice %arg3[%add3A, %dma_start3A_97, %dma_start3A_102, %dma_start3A_103] : memref<32x125x2x80xi32, #tpu.memory_space<hbm>> -> memref<1x1x2x80xi32, #tpu.memory_space<hbm>>
    %dma_start3A_105 = tpu.memref_squeeze %dma_start3A_104 : memref<1x1x2x80xi32, #tpu.memory_space<hbm>> -> memref<2x80xi32, #tpu.memory_space<hbm>>
    tpu.enqueue_dma source(%dma_start3A_105 : memref<2x80xi32, #tpu.memory_space<hbm>>) target(%arg5 : memref<2x80xi32, #tpu.memory_space<vmem>>) target_semaphore(%arg10 : memref<!tpu.dma_semaphore, #tpu.memory_space<semaphore_mem>>)
    %dma_wait3A_106 = arith.constant 0 : i32
    %dma_wait3A_107 = arith.constant 0 : i32
    %dma_wait3A_108 = arith.constant 0 : i32
    %dma_wait3A_109 = tpu.memref_slice %arg3[%add3A, %dma_wait3A_106, %dma_wait3A_107, %dma_wait3A_108] : memref<32x125x2x80xi32, #tpu.memory_space<hbm>> -> memref<1x1x2x80xi32, #tpu.memory_space<hbm>>
    %dma_wait3A_110 = tpu.memref_squeeze %dma_wait3A_109 : memref<1x1x2x80xi32, #tpu.memory_space<hbm>> -> memref<2x80xi32, #tpu.memory_space<hbm>>
    %dma_wait3A_111 = arith.constant 0 : i32
    %dma_wait3A_112 = arith.constant 0 : i32
    %dma_wait3A_113 = tpu.memref_slice %arg3[%add3A, %dma_wait3A_106, %dma_wait3A_111, %dma_wait3A_112] : memref<32x125x2x80xi32, #tpu.memory_space<hbm>> -> memref<1x1x2x80xi32, #tpu.memory_space<hbm>>
    %dma_wait3A_114 = tpu.memref_squeeze %dma_wait3A_113 : memref<1x1x2x80xi32, #tpu.memory_space<hbm>> -> memref<2x80xi32, #tpu.memory_space<hbm>>
    tpu.wait_dma2 semaphore(%arg10 : memref<!tpu.dma_semaphore, #tpu.memory_space<semaphore_mem>>) src(%dma_wait3A_114 : memref<2x80xi32, #tpu.memory_space<hbm>>) dst(%arg5 : memref<2x80xi32, #tpu.memory_space<vmem>>)
    %dma_start3A_115 = arith.constant 0 : i32
    %dma_start3A_116 = arith.constant 0 : i32
    %dma_start3A_117 = tpu.memref_slice %arg5[%dma_start3A_115, %dma_start3A_116] : memref<2x80xi32, #tpu.memory_space<vmem>> -> memref<1x80xi32, #tpu.memory_space<vmem>>
    %dma_start3A_118 = tpu.memref_squeeze %dma_start3A_117 : memref<1x80xi32, #tpu.memory_space<vmem>> -> memref<80xi32, #tpu.memory_space<vmem>>
    %dma_start3A_119 = arith.constant 0 : i32
    %dma_start3A_120 = arith.constant 0 : i32
    %dma_start3A_121 = tpu.memref_slice %arg2[%dma_start3A_119, %dma_start3A_120] : memref<10240x128xf32, #tpu.memory_space<hbm>> -> memref<10240x128xf32, #tpu.memory_space<hbm>>
    tpu.enqueue_indirect_dma source(%dma_start3A_121 : memref<10240x128xf32, #tpu.memory_space<hbm>>) target(%arg7 : memref<80x128xf32, #tpu.memory_space<vmem>>) offsets(%dma_start3A_118 : memref<80xi32, #tpu.memory_space<vmem>>) semaphore(%arg12 : memref<!tpu.dma_semaphore, #tpu.memory_space<semaphore_mem>>)
    %dma_wait3A_122 = arith.constant 0 : i32
    %dma_wait3A_123 = arith.constant 0 : i32
    %dma_wait3A_124 = tpu.memref_slice %arg6[%dma_wait3A_122, %dma_wait3A_123] : memref<2x80xi32, #tpu.memory_space<vmem>> -> memref<1x80xi32, #tpu.memory_space<vmem>>
    %dma_wait3A_125 = tpu.memref_squeeze %dma_wait3A_124 : memref<1x80xi32, #tpu.memory_space<vmem>> -> memref<80xi32, #tpu.memory_space<vmem>>
    %dma_wait3A_126 = arith.constant 0 : i32
    %dma_wait3A_127 = arith.constant 0 : i32
    %dma_wait3A_128 = tpu.memref_slice %arg2[%dma_wait3A_126, %dma_wait3A_127] : memref<10240x128xf32, #tpu.memory_space<hbm>> -> memref<10240x128xf32, #tpu.memory_space<hbm>>
    tpu.wait_indirect_dma semaphore(%arg13 : memref<!tpu.dma_semaphore, #tpu.memory_space<semaphore_mem>>) src(%dma_wait3A_128 : memref<10240x128xf32, #tpu.memory_space<hbm>>) dst(%arg8 : memref<80x128xf32, #tpu.memory_space<vmem>>)
    %dma_start3A_129 = arith.constant 1 : i32
    %dma_start3A_130 = arith.constant 0 : i32
    %dma_start3A_131 = tpu.memref_slice %arg6[%dma_start3A_129, %dma_start3A_130] : memref<2x80xi32, #tpu.memory_space<vmem>> -> memref<1x80xi32, #tpu.memory_space<vmem>>
    %dma_start3A_132 = tpu.memref_squeeze %dma_start3A_131 : memref<1x80xi32, #tpu.memory_space<vmem>> -> memref<80xi32, #tpu.memory_space<vmem>>
    %dma_start3A_133 = arith.constant 0 : i32
    %dma_start3A_134 = arith.constant 0 : i32
    %dma_start3A_135 = tpu.memref_slice %arg9[%dma_start3A_133, %dma_start3A_134] : memref<10240x128xf32, #tpu.memory_space<vmem_shared>> -> memref<10240x128xf32, #tpu.memory_space<vmem_shared>>
    tpu.enqueue_indirect_dma source(%arg8 : memref<80x128xf32, #tpu.memory_space<vmem>>) target(%dma_start3A_135 : memref<10240x128xf32, #tpu.memory_space<vmem_shared>>) offsets(%dma_start3A_132 : memref<80xi32, #tpu.memory_space<vmem>>) semaphore(%arg15 : memref<!tpu.dma_semaphore, #tpu.memory_space<semaphore_mem>>) {add = true}
    %dma_wait3A_136 = arith.constant 1 : i32
    %dma_wait3A_137 = arith.constant 0 : i32
    %dma_wait3A_138 = tpu.memref_slice %arg6[%dma_wait3A_136, %dma_wait3A_137] : memref<2x80xi32, #tpu.memory_space<vmem>> -> memref<1x80xi32, #tpu.memory_space<vmem>>
    %dma_wait3A_139 = tpu.memref_squeeze %dma_wait3A_138 : memref<1x80xi32, #tpu.memory_space<vmem>> -> memref<80xi32, #tpu.memory_space<vmem>>
    %dma_wait3A_140 = arith.constant 0 : i32
    %dma_wait3A_141 = arith.constant 0 : i32
    %dma_wait3A_142 = tpu.memref_slice %arg9[%dma_wait3A_140, %dma_wait3A_141] : memref<10240x128xf32, #tpu.memory_space<vmem_shared>> -> memref<10240x128xf32, #tpu.memory_space<vmem_shared>>
    tpu.wait_indirect_dma semaphore(%arg15 : memref<!tpu.dma_semaphore, #tpu.memory_space<semaphore_mem>>) src(%arg8 : memref<80x128xf32, #tpu.memory_space<vmem>>) dst(%dma_wait3A_142 : memref<10240x128xf32, #tpu.memory_space<vmem_shared>>)
    %dma_wait3A_143 = arith.constant 0 : i32
    %dma_wait3A_144 = arith.constant 0 : i32
    %dma_wait3A_145 = tpu.memref_slice %arg5[%dma_wait3A_143, %dma_wait3A_144] : memref<2x80xi32, #tpu.memory_space<vmem>> -> memref<1x80xi32, #tpu.memory_space<vmem>>
    %dma_wait3A_146 = tpu.memref_squeeze %dma_wait3A_145 : memref<1x80xi32, #tpu.memory_space<vmem>> -> memref<80xi32, #tpu.memory_space<vmem>>
    %dma_wait3A_147 = arith.constant 0 : i32
    %dma_wait3A_148 = arith.constant 0 : i32
    %dma_wait3A_149 = tpu.memref_slice %arg2[%dma_wait3A_147, %dma_wait3A_148] : memref<10240x128xf32, #tpu.memory_space<hbm>> -> memref<10240x128xf32, #tpu.memory_space<hbm>>
    tpu.wait_indirect_dma semaphore(%arg12 : memref<!tpu.dma_semaphore, #tpu.memory_space<semaphore_mem>>) src(%dma_wait3A_149 : memref<10240x128xf32, #tpu.memory_space<hbm>>) dst(%arg7 : memref<80x128xf32, #tpu.memory_space<vmem>>)
    %dma_start3A_150 = arith.constant 1 : i32
    %dma_start3A_151 = arith.constant 0 : i32
    %dma_start3A_152 = tpu.memref_slice %arg5[%dma_start3A_150, %dma_start3A_151] : memref<2x80xi32, #tpu.memory_space<vmem>> -> memref<1x80xi32, #tpu.memory_space<vmem>>
    %dma_start3A_153 = tpu.memref_squeeze %dma_start3A_152 : memref<1x80xi32, #tpu.memory_space<vmem>> -> memref<80xi32, #tpu.memory_space<vmem>>
    %dma_start3A_154 = arith.constant 0 : i32
    %dma_start3A_155 = arith.constant 0 : i32
    %dma_start3A_156 = tpu.memref_slice %arg9[%dma_start3A_154, %dma_start3A_155] : memref<10240x128xf32, #tpu.memory_space<vmem_shared>> -> memref<10240x128xf32, #tpu.memory_space<vmem_shared>>
    tpu.enqueue_indirect_dma source(%arg7 : memref<80x128xf32, #tpu.memory_space<vmem>>) target(%dma_start3A_156 : memref<10240x128xf32, #tpu.memory_space<vmem_shared>>) offsets(%dma_start3A_153 : memref<80xi32, #tpu.memory_space<vmem>>) semaphore(%arg14 : memref<!tpu.dma_semaphore, #tpu.memory_space<semaphore_mem>>) {add = true}
    %dma_wait3A_157 = arith.constant 1 : i32
    %dma_wait3A_158 = arith.constant 0 : i32
    %dma_wait3A_159 = tpu.memref_slice %arg5[%dma_wait3A_157, %dma_wait3A_158] : memref<2x80xi32, #tpu.memory_space<vmem>> -> memref<1x80xi32, #tpu.memory_space<vmem>>
    %dma_wait3A_160 = tpu.memref_squeeze %dma_wait3A_159 : memref<1x80xi32, #tpu.memory_space<vmem>> -> memref<80xi32, #tpu.memory_space<vmem>>
    %dma_wait3A_161 = arith.constant 0 : i32
    %dma_wait3A_162 = arith.constant 0 : i32
    %dma_wait3A_163 = tpu.memref_slice %arg9[%dma_wait3A_161, %dma_wait3A_162] : memref<10240x128xf32, #tpu.memory_space<vmem_shared>> -> memref<10240x128xf32, #tpu.memory_space<vmem_shared>>
    tpu.wait_indirect_dma semaphore(%arg14 : memref<!tpu.dma_semaphore, #tpu.memory_space<semaphore_mem>>) src(%arg7 : memref<80x128xf32, #tpu.memory_space<vmem>>) dst(%dma_wait3A_163 : memref<10240x128xf32, #tpu.memory_space<vmem_shared>>)
    %barrier3A_164 = arith.constant 0 : index
    tpu.barrier barrier_id(%barrier3A_164)
    %mul3A_165 = arith.constant 640 : i32
    %mul3A_166 = arith.muli %arg1, %mul3A_165 : i32
    %mul3A_167 = arith.constant 640 : i32
    %mul3A_168 = arith.muli %arg1, %mul3A_167 : i32
    "tpu.region"() ({
      %run_scoped3A = tpu.sem_alloc : memref<!tpu.dma_semaphore, #tpu.memory_space<semaphore_mem>>
      %dma_start3A_169 = arith.constant 0 : i32
      %dma_start3A_170 = tpu.memref_slice %arg4[%arg0, %mul3A_168, %dma_start3A_169] : memref<2x10240x128xf32, #tpu.memory_space<hbm>> -> memref<1x640x128xf32, #tpu.memory_space<hbm>>
      %dma_start3A_171 = tpu.memref_squeeze %dma_start3A_170 : memref<1x640x128xf32, #tpu.memory_space<hbm>> -> memref<640x128xf32, #tpu.memory_space<hbm>>
      %dma_start3A_172 = arith.constant 0 : i32
      %dma_start3A_173 = tpu.memref_slice %arg9[%mul3A_166, %dma_start3A_172] : memref<10240x128xf32, #tpu.memory_space<vmem_shared>> -> memref<640x128xf32, #tpu.memory_space<vmem_shared>>
      tpu.enqueue_dma source(%dma_start3A_173 : memref<640x128xf32, #tpu.memory_space<vmem_shared>>) target(%dma_start3A_171 : memref<640x128xf32, #tpu.memory_space<hbm>>) target_semaphore(%run_scoped3A : memref<!tpu.dma_semaphore, #tpu.memory_space<semaphore_mem>>)
      %dma_wait3A_174 = arith.constant 0 : i32
      %dma_wait3A_175 = tpu.memref_slice %arg4[%arg0, %mul3A_168, %dma_wait3A_174] : memref<2x10240x128xf32, #tpu.memory_space<hbm>> -> memref<1x640x128xf32, #tpu.memory_space<hbm>>
      %dma_wait3A_176 = tpu.memref_squeeze %dma_wait3A_175 : memref<1x640x128xf32, #tpu.memory_space<hbm>> -> memref<640x128xf32, #tpu.memory_space<hbm>>
      %dma_wait3A_177 = arith.constant 0 : i32
      %dma_wait3A_178 = tpu.memref_slice %arg9[%mul3A_166, %dma_wait3A_177] : memref<10240x128xf32, #tpu.memory_space<vmem_shared>> -> memref<640x128xf32, #tpu.memory_space<vmem_shared>>
      tpu.wait_dma2 semaphore(%run_scoped3A : memref<!tpu.dma_semaphore, #tpu.memory_space<semaphore_mem>>) src(%dma_wait3A_178 : memref<640x128xf32, #tpu.memory_space<vmem_shared>>) dst(%dma_wait3A_176 : memref<640x128xf32, #tpu.memory_space<hbm>>)
      tpu.yield
    }) : () -> ()
    return
  }
}

#map = affine_map<(d0, d1) -> (0, 0, 0)>
#map1 = affine_map<(d0, d1) -> (0, 0)>
module attributes {stable_mosaic.version = 14 : i64} {
  func.func @_deg_body(%arg0: i32, %arg1: i32, %arg2: memref<32x125x80xi32, #tpu.memory_space<hbm>>, %arg3: memref<32x10240xf32, #tpu.memory_space<hbm>>, %arg4: memref<125x80xi32, #tpu.memory_space<vmem>>, %arg5: memref<10240xf32, #tpu.memory_space<vmem>>) attributes {dimension_semantics = [#tpu.dimension_semantics<core_parallel>, #tpu.dimension_semantics<subcore_parallel>], iteration_bounds = array<i64: 2, 16>, scalar_prefetch = 0 : i64, scratch_operands = 2 : i64, tpu.core_type = #tpu.core_type<sc_vector_subcore>, window_params = [{transform_indices = #map}, {transform_indices = #map1}]} {
    %mul3A = arith.constant 2 : i32
    %mul3A_0 = arith.muli %arg1, %mul3A : i32
    %add3A = arith.addi %mul3A_0, %arg0 : i32
    %scan3A = arith.constant 0 : i32
    %scan3A_1 = arith.constant 640 : i32
    %scan3A_2 = arith.addi %scan3A, %scan3A_1 : i32
    %scan3A_3 = arith.constant 1 : i32
    scf.for %scan3A_11 = %scan3A to %scan3A_2 step %scan3A_3  : i32 {
      %broadcast_in_dim3A_12 = arith.constant 0.000000e+00 : f32
      %broadcast_in_dim3A_13 = vector.broadcast %broadcast_in_dim3A_12 : f32 to vector<16xf32>
      %mul3A_14 = arith.constant 16 : i32
      %mul3A_15 = arith.muli %scan3A_11, %mul3A_14 : i32
      %multiple_of3A = tpu.assume_multiple %mul3A_15, 16 : i32
      %swap3A = arith.index_cast %multiple_of3A : i32 to index
      %swap3A_16 = tpu.vector_load %arg5[%swap3A] {strides = array<i32>} : memref<10240xf32, #tpu.memory_space<vmem>>, vector<16xf32>,
      tpu.vector_store %arg5[%swap3A], %broadcast_in_dim3A_13 {strides = array<i32>} : memref<10240xf32, #tpu.memory_space<vmem>>, vector<16xf32>,
    }
    %scan3A_4 = arith.constant 640 : i32
    "tpu.region"() ({
      %run_scoped3A = tpu.sem_alloc : memref<!tpu.dma_semaphore, #tpu.memory_space<semaphore_mem>>
      %dma_start3A = arith.constant 0 : i32
      %dma_start3A_11 = arith.constant 0 : i32
      %dma_start3A_12 = tpu.memref_slice %arg2[%add3A, %dma_start3A, %dma_start3A_11] : memref<32x125x80xi32, #tpu.memory_space<hbm>> -> memref<1x125x80xi32, #tpu.memory_space<hbm>>
      %dma_start3A_13 = tpu.memref_squeeze %dma_start3A_12 : memref<1x125x80xi32, #tpu.memory_space<hbm>> -> memref<125x80xi32, #tpu.memory_space<hbm>>
      %dma_start3A_14 = arith.constant 0 : i32
      %dma_start3A_15 = arith.constant 0 : i32
      %dma_start3A_16 = tpu.memref_slice %arg2[%add3A, %dma_start3A_14, %dma_start3A_15] : memref<32x125x80xi32, #tpu.memory_space<hbm>> -> memref<1x125x80xi32, #tpu.memory_space<hbm>>
      %dma_start3A_17 = tpu.memref_squeeze %dma_start3A_16 : memref<1x125x80xi32, #tpu.memory_space<hbm>> -> memref<125x80xi32, #tpu.memory_space<hbm>>
      tpu.enqueue_dma source(%dma_start3A_17 : memref<125x80xi32, #tpu.memory_space<hbm>>) target(%arg4 : memref<125x80xi32, #tpu.memory_space<vmem>>) target_semaphore(%run_scoped3A : memref<!tpu.dma_semaphore, #tpu.memory_space<semaphore_mem>>)
      %dma_wait3A = arith.constant 0 : i32
      %dma_wait3A_18 = arith.constant 0 : i32
      %dma_wait3A_19 = tpu.memref_slice %arg2[%add3A, %dma_wait3A, %dma_wait3A_18] : memref<32x125x80xi32, #tpu.memory_space<hbm>> -> memref<1x125x80xi32, #tpu.memory_space<hbm>>
      %dma_wait3A_20 = tpu.memref_squeeze %dma_wait3A_19 : memref<1x125x80xi32, #tpu.memory_space<hbm>> -> memref<125x80xi32, #tpu.memory_space<hbm>>
      %dma_wait3A_21 = arith.constant 0 : i32
      %dma_wait3A_22 = arith.constant 0 : i32
      %dma_wait3A_23 = tpu.memref_slice %arg2[%add3A, %dma_wait3A_21, %dma_wait3A_22] : memref<32x125x80xi32, #tpu.memory_space<hbm>> -> memref<1x125x80xi32, #tpu.memory_space<hbm>>
      %dma_wait3A_24 = tpu.memref_squeeze %dma_wait3A_23 : memref<1x125x80xi32, #tpu.memory_space<hbm>> -> memref<125x80xi32, #tpu.memory_space<hbm>>
      tpu.wait_dma2 semaphore(%run_scoped3A : memref<!tpu.dma_semaphore, #tpu.memory_space<semaphore_mem>>) src(%dma_wait3A_24 : memref<125x80xi32, #tpu.memory_space<hbm>>) dst(%arg4 : memref<125x80xi32, #tpu.memory_space<vmem>>)
      tpu.yield
    }) : () -> ()
    %broadcast_in_dim3A = arith.constant 1.000000e+00 : f32
    %broadcast_in_dim3A_5 = vector.broadcast %broadcast_in_dim3A : f32 to vector<16xf32>
    %scan3A_6 = arith.constant 0 : i32
    %scan3A_7 = arith.constant 125 : i32
    %scan3A_8 = arith.addi %scan3A_6, %scan3A_7 : i32
    %scan3A_9 = arith.constant 1 : i32
    scf.for %scan3A_11 = %scan3A_6 to %scan3A_8 step %scan3A_9  : i32 {
      %get3A = arith.index_cast %scan3A_11 : i32 to index
      %get3A_12 = arith.constant 0 : index
      %get3A_13 = tpu.vector_load %arg4[%get3A, %get3A_12] {strides = array<i32>} : memref<125x80xi32, #tpu.memory_space<vmem>>, vector<16xi32>,
      tpu.vector_store_idx %arg5[%get3A_13], %broadcast_in_dim3A_5 {add = true} : memref<10240xf32, #tpu.memory_space<vmem>>[vector<16xi32>], vector<16xf32>,
      %get3A_14 = arith.index_cast %scan3A_11 : i32 to index
      %get3A_15 = arith.constant 16 : index
      %get3A_16 = tpu.vector_load %arg4[%get3A_14, %get3A_15] {strides = array<i32>} : memref<125x80xi32, #tpu.memory_space<vmem>>, vector<16xi32>,
      tpu.vector_store_idx %arg5[%get3A_16], %broadcast_in_dim3A_5 {add = true} : memref<10240xf32, #tpu.memory_space<vmem>>[vector<16xi32>], vector<16xf32>,
      %get3A_17 = arith.index_cast %scan3A_11 : i32 to index
      %get3A_18 = arith.constant 32 : index
      %get3A_19 = tpu.vector_load %arg4[%get3A_17, %get3A_18] {strides = array<i32>} : memref<125x80xi32, #tpu.memory_space<vmem>>, vector<16xi32>,
      tpu.vector_store_idx %arg5[%get3A_19], %broadcast_in_dim3A_5 {add = true} : memref<10240xf32, #tpu.memory_space<vmem>>[vector<16xi32>], vector<16xf32>,
      %get3A_20 = arith.index_cast %scan3A_11 : i32 to index
      %get3A_21 = arith.constant 48 : index
      %get3A_22 = tpu.vector_load %arg4[%get3A_20, %get3A_21] {strides = array<i32>} : memref<125x80xi32, #tpu.memory_space<vmem>>, vector<16xi32>,
      tpu.vector_store_idx %arg5[%get3A_22], %broadcast_in_dim3A_5 {add = true} : memref<10240xf32, #tpu.memory_space<vmem>>[vector<16xi32>], vector<16xf32>,
      %get3A_23 = arith.index_cast %scan3A_11 : i32 to index
      %get3A_24 = arith.constant 64 : index
      %get3A_25 = tpu.vector_load %arg4[%get3A_23, %get3A_24] {strides = array<i32>} : memref<125x80xi32, #tpu.memory_space<vmem>>, vector<16xi32>,
      tpu.vector_store_idx %arg5[%get3A_25], %broadcast_in_dim3A_5 {add = true} : memref<10240xf32, #tpu.memory_space<vmem>>[vector<16xi32>], vector<16xf32>,
    }
    %scan3A_10 = arith.constant 125 : i32
    "tpu.region"() ({
      %run_scoped3A = tpu.sem_alloc : memref<!tpu.dma_semaphore, #tpu.memory_space<semaphore_mem>>
      %dma_start3A = arith.constant 0 : i32
      %dma_start3A_11 = tpu.memref_slice %arg3[%add3A, %dma_start3A] : memref<32x10240xf32, #tpu.memory_space<hbm>> -> memref<1x10240xf32, #tpu.memory_space<hbm>>
      %dma_start3A_12 = tpu.memref_squeeze %dma_start3A_11 : memref<1x10240xf32, #tpu.memory_space<hbm>> -> memref<10240xf32, #tpu.memory_space<hbm>>
      %dma_start3A_13 = arith.constant 0 : i32
      %dma_start3A_14 = tpu.memref_slice %arg3[%add3A, %dma_start3A_13] : memref<32x10240xf32, #tpu.memory_space<hbm>> -> memref<1x10240xf32, #tpu.memory_space<hbm>>
      %dma_start3A_15 = tpu.memref_squeeze %dma_start3A_14 : memref<1x10240xf32, #tpu.memory_space<hbm>> -> memref<10240xf32, #tpu.memory_space<hbm>>
      tpu.enqueue_dma source(%arg5 : memref<10240xf32, #tpu.memory_space<vmem>>) target(%dma_start3A_15 : memref<10240xf32, #tpu.memory_space<hbm>>) target_semaphore(%run_scoped3A : memref<!tpu.dma_semaphore, #tpu.memory_space<semaphore_mem>>)
      %dma_wait3A = arith.constant 0 : i32
      %dma_wait3A_16 = tpu.memref_slice %arg3[%add3A, %dma_wait3A] : memref<32x10240xf32, #tpu.memory_space<hbm>> -> memref<1x10240xf32, #tpu.memory_space<hbm>>
      %dma_wait3A_17 = tpu.memref_squeeze %dma_wait3A_16 : memref<1x10240xf32, #tpu.memory_space<hbm>> -> memref<10240xf32, #tpu.memory_space<hbm>>
      %dma_wait3A_18 = arith.constant 0 : i32
      %dma_wait3A_19 = tpu.memref_slice %arg3[%add3A, %dma_wait3A_18] : memref<32x10240xf32, #tpu.memory_space<hbm>> -> memref<1x10240xf32, #tpu.memory_space<hbm>>
      %dma_wait3A_20 = tpu.memref_squeeze %dma_wait3A_19 : memref<1x10240xf32, #tpu.memory_space<hbm>> -> memref<10240xf32, #tpu.memory_space<hbm>>
      tpu.wait_dma2 semaphore(%run_scoped3A : memref<!tpu.dma_semaphore, #tpu.memory_space<semaphore_mem>>) src(%arg5 : memref<10240xf32, #tpu.memory_space<vmem>>) dst(%dma_wait3A_20 : memref<10240xf32, #tpu.memory_space<hbm>>)
      tpu.yield
    }) : () -> ()
    return
  }
}

#map = affine_map<(d0, d1) -> (0, 0)>
#map1 = affine_map<(d0, d1) -> (0, 0, 0, 0)>
#map2 = affine_map<(d0, d1) -> (0, 0, 0)>
module attributes {stable_mosaic.version = 14 : i64} {
  func.func @_agg_body(%arg0: i32, %arg1: i32, %arg2: memref<10240x128xf32, #tpu.memory_space<hbm>>, %arg3: memref<32x125x2x80xi32, #tpu.memory_space<hbm>>, %arg4: memref<2x10240x128xf32, #tpu.memory_space<hbm>>, %arg5: memref<2x80xi32, #tpu.memory_space<vmem>>, %arg6: memref<2x80xi32, #tpu.memory_space<vmem>>, %arg7: memref<80x128xf32, #tpu.memory_space<vmem>>, %arg8: memref<80x128xf32, #tpu.memory_space<vmem>>, %arg9: memref<10240x128xf32, #tpu.memory_space<vmem_shared>>, %arg10: memref<!tpu.dma_semaphore, #tpu.memory_space<semaphore_mem>>, %arg11: memref<!tpu.dma_semaphore, #tpu.memory_space<semaphore_mem>>, %arg12: memref<!tpu.dma_semaphore, #tpu.memory_space<semaphore_mem>>, %arg13: memref<!tpu.dma_semaphore, #tpu.memory_space<semaphore_mem>>, %arg14: memref<!tpu.dma_semaphore, #tpu.memory_space<semaphore_mem>>, %arg15: memref<!tpu.dma_semaphore, #tpu.memory_space<semaphore_mem>>) attributes {dimension_semantics = [#tpu.dimension_semantics<core_parallel>, #tpu.dimension_semantics<subcore_parallel>], iteration_bounds = array<i64: 2, 16>, scalar_prefetch = 0 : i64, scratch_operands = 11 : i64, tpu.core_type = #tpu.core_type<sc_vector_subcore>, window_params = [{transform_indices = #map}, {transform_indices = #map1}, {transform_indices = #map2}]} {
    %mul3A = arith.constant 2 : i32
    %mul3A_0 = arith.muli %arg1, %mul3A : i32
    %add3A = arith.addi %mul3A_0, %arg0 : i32
    %dma_start3A = arith.constant 0 : i32
    %dma_start3A_1 = arith.constant 0 : i32
    %dma_start3A_2 = arith.constant 0 : i32
    %dma_start3A_3 = tpu.memref_slice %arg3[%add3A, %dma_start3A, %dma_start3A_1, %dma_start3A_2] : memref<32x125x2x80xi32, #tpu.memory_space<hbm>> -> memref<1x1x2x80xi32, #tpu.memory_space<hbm>>
    %dma_start3A_4 = tpu.memref_squeeze %dma_start3A_3 : memref<1x1x2x80xi32, #tpu.memory_space<hbm>> -> memref<2x80xi32, #tpu.memory_space<hbm>>
    %dma_start3A_5 = arith.constant 0 : i32
    %dma_start3A_6 = arith.constant 0 : i32
    %dma_start3A_7 = tpu.memref_slice %arg3[%add3A, %dma_start3A, %dma_start3A_5, %dma_start3A_6] : memref<32x125x2x80xi32, #tpu.memory_space<hbm>> -> memref<1x1x2x80xi32, #tpu.memory_space<hbm>>
    %dma_start3A_8 = tpu.memref_squeeze %dma_start3A_7 : memref<1x1x2x80xi32, #tpu.memory_space<hbm>> -> memref<2x80xi32, #tpu.memory_space<hbm>>
    tpu.enqueue_dma source(%dma_start3A_8 : memref<2x80xi32, #tpu.memory_space<hbm>>) target(%arg5 : memref<2x80xi32, #tpu.memory_space<vmem>>) target_semaphore(%arg10 : memref<!tpu.dma_semaphore, #tpu.memory_space<semaphore_mem>>)
    %dma_start3A_9 = arith.constant 1 : i32
    %dma_start3A_10 = arith.constant 0 : i32
    %dma_start3A_11 = arith.constant 0 : i32
    %dma_start3A_12 = tpu.memref_slice %arg3[%add3A, %dma_start3A_9, %dma_start3A_10, %dma_start3A_11] : memref<32x125x2x80xi32, #tpu.memory_space<hbm>> -> memref<1x1x2x80xi32, #tpu.memory_space<hbm>>
    %dma_start3A_13 = tpu.memref_squeeze %dma_start3A_12 : memref<1x1x2x80xi32, #tpu.memory_space<hbm>> -> memref<2x80xi32, #tpu.memory_space<hbm>>
    %dma_start3A_14 = arith.constant 0 : i32
    %dma_start3A_15 = arith.constant 0 : i32
    %dma_start3A_16 = tpu.memref_slice %arg3[%add3A, %dma_start3A_9, %dma_start3A_14, %dma_start3A_15] : memref<32x125x2x80xi32, #tpu.memory_space<hbm>> -> memref<1x1x2x80xi32, #tpu.memory_space<hbm>>
    %dma_start3A_17 = tpu.memref_squeeze %dma_start3A_16 : memref<1x1x2x80xi32, #tpu.memory_space<hbm>> -> memref<2x80xi32, #tpu.memory_space<hbm>>
    tpu.enqueue_dma source(%dma_start3A_17 : memref<2x80xi32, #tpu.memory_space<hbm>>) target(%arg6 : memref<2x80xi32, #tpu.memory_space<vmem>>) target_semaphore(%arg11 : memref<!tpu.dma_semaphore, #tpu.memory_space<semaphore_mem>>)
    %scan3A = arith.constant 0 : i32
    %scan3A_18 = arith.constant 80 : i32
    %scan3A_19 = arith.addi %scan3A, %scan3A_18 : i32
    %scan3A_20 = arith.constant 1 : i32
    scf.for %scan3A_169 = %scan3A to %scan3A_19 step %scan3A_20  : i32 {
      %broadcast_in_dim3A = arith.constant 0.000000e+00 : f32
      %broadcast_in_dim3A_170 = vector.broadcast %broadcast_in_dim3A : f32 to vector<16xf32>
      %swap3A = arith.index_cast %scan3A_169 : i32 to index
      %swap3A_171 = arith.constant 0 : index
      %swap3A_172 = tpu.vector_load %arg7[%swap3A, %swap3A_171] {strides = array<i32>} : memref<80x128xf32, #tpu.memory_space<vmem>>, vector<16xf32>,
      tpu.vector_store %arg7[%swap3A, %swap3A_171], %broadcast_in_dim3A_170 {strides = array<i32>} : memref<80x128xf32, #tpu.memory_space<vmem>>, vector<16xf32>,
      %broadcast_in_dim3A_173 = arith.constant 0.000000e+00 : f32
      %broadcast_in_dim3A_174 = vector.broadcast %broadcast_in_dim3A_173 : f32 to vector<16xf32>
      %swap3A_175 = arith.index_cast %scan3A_169 : i32 to index
      %swap3A_176 = arith.constant 16 : index
      %swap3A_177 = tpu.vector_load %arg7[%swap3A_175, %swap3A_176] {strides = array<i32>} : memref<80x128xf32, #tpu.memory_space<vmem>>, vector<16xf32>,
      tpu.vector_store %arg7[%swap3A_175, %swap3A_176], %broadcast_in_dim3A_174 {strides = array<i32>} : memref<80x128xf32, #tpu.memory_space<vmem>>, vector<16xf32>,
      %broadcast_in_dim3A_178 = arith.constant 0.000000e+00 : f32
      %broadcast_in_dim3A_179 = vector.broadcast %broadcast_in_dim3A_178 : f32 to vector<16xf32>
      %swap3A_180 = arith.index_cast %scan3A_169 : i32 to index
      %swap3A_181 = arith.constant 32 : index
      %swap3A_182 = tpu.vector_load %arg7[%swap3A_180, %swap3A_181] {strides = array<i32>} : memref<80x128xf32, #tpu.memory_space<vmem>>, vector<16xf32>,
      tpu.vector_store %arg7[%swap3A_180, %swap3A_181], %broadcast_in_dim3A_179 {strides = array<i32>} : memref<80x128xf32, #tpu.memory_space<vmem>>, vector<16xf32>,
      %broadcast_in_dim3A_183 = arith.constant 0.000000e+00 : f32
      %broadcast_in_dim3A_184 = vector.broadcast %broadcast_in_dim3A_183 : f32 to vector<16xf32>
      %swap3A_185 = arith.index_cast %scan3A_169 : i32 to index
      %swap3A_186 = arith.constant 48 : index
      %swap3A_187 = tpu.vector_load %arg7[%swap3A_185, %swap3A_186] {strides = array<i32>} : memref<80x128xf32, #tpu.memory_space<vmem>>, vector<16xf32>,
      tpu.vector_store %arg7[%swap3A_185, %swap3A_186], %broadcast_in_dim3A_184 {strides = array<i32>} : memref<80x128xf32, #tpu.memory_space<vmem>>, vector<16xf32>,
      %broadcast_in_dim3A_188 = arith.constant 0.000000e+00 : f32
      %broadcast_in_dim3A_189 = vector.broadcast %broadcast_in_dim3A_188 : f32 to vector<16xf32>
      %swap3A_190 = arith.index_cast %scan3A_169 : i32 to index
      %swap3A_191 = arith.constant 64 : index
      %swap3A_192 = tpu.vector_load %arg7[%swap3A_190, %swap3A_191] {strides = array<i32>} : memref<80x128xf32, #tpu.memory_space<vmem>>, vector<16xf32>,
      tpu.vector_store %arg7[%swap3A_190, %swap3A_191], %broadcast_in_dim3A_189 {strides = array<i32>} : memref<80x128xf32, #tpu.memory_space<vmem>>, vector<16xf32>,
      %broadcast_in_dim3A_193 = arith.constant 0.000000e+00 : f32
      %broadcast_in_dim3A_194 = vector.broadcast %broadcast_in_dim3A_193 : f32 to vector<16xf32>
      %swap3A_195 = arith.index_cast %scan3A_169 : i32 to index
      %swap3A_196 = arith.constant 80 : index
      %swap3A_197 = tpu.vector_load %arg7[%swap3A_195, %swap3A_196] {strides = array<i32>} : memref<80x128xf32, #tpu.memory_space<vmem>>, vector<16xf32>,
      tpu.vector_store %arg7[%swap3A_195, %swap3A_196], %broadcast_in_dim3A_194 {strides = array<i32>} : memref<80x128xf32, #tpu.memory_space<vmem>>, vector<16xf32>,
      %broadcast_in_dim3A_198 = arith.constant 0.000000e+00 : f32
      %broadcast_in_dim3A_199 = vector.broadcast %broadcast_in_dim3A_198 : f32 to vector<16xf32>
      %swap3A_200 = arith.index_cast %scan3A_169 : i32 to index
      %swap3A_201 = arith.constant 96 : index
      %swap3A_202 = tpu.vector_load %arg7[%swap3A_200, %swap3A_201] {strides = array<i32>} : memref<80x128xf32, #tpu.memory_space<vmem>>, vector<16xf32>,
      tpu.vector_store %arg7[%swap3A_200, %swap3A_201], %broadcast_in_dim3A_199 {strides = array<i32>} : memref<80x128xf32, #tpu.memory_space<vmem>>, vector<16xf32>,
      %broadcast_in_dim3A_203 = arith.constant 0.000000e+00 : f32
      %broadcast_in_dim3A_204 = vector.broadcast %broadcast_in_dim3A_203 : f32 to vector<16xf32>
      %swap3A_205 = arith.index_cast %scan3A_169 : i32 to index
      %swap3A_206 = arith.constant 112 : index
      %swap3A_207 = tpu.vector_load %arg7[%swap3A_205, %swap3A_206] {strides = array<i32>} : memref<80x128xf32, #tpu.memory_space<vmem>>, vector<16xf32>,
      tpu.vector_store %arg7[%swap3A_205, %swap3A_206], %broadcast_in_dim3A_204 {strides = array<i32>} : memref<80x128xf32, #tpu.memory_space<vmem>>, vector<16xf32>,
    }
    %scan3A_21 = arith.constant 80 : i32
    %mul3A_22 = arith.constant 640 : i32
    %mul3A_23 = arith.muli %arg1, %mul3A_22 : i32
    %add3A_24 = arith.constant 0 : i32
    %add3A_25 = arith.addi %mul3A_23, %add3A_24 : i32
    "tpu.region"() ({
      %run_scoped3A = tpu.sem_alloc : memref<!tpu.dma_semaphore, #tpu.memory_space<semaphore_mem>>
      %dma_start3A_169 = arith.constant 0 : i32
      %dma_start3A_170 = tpu.memref_slice %arg9[%add3A_25, %dma_start3A_169] : memref<10240x128xf32, #tpu.memory_space<vmem_shared>> -> memref<80x128xf32, #tpu.memory_space<vmem_shared>>
      %dma_start3A_171 = arith.constant 0 : i32
      %dma_start3A_172 = tpu.memref_slice %arg9[%add3A_25, %dma_start3A_171] : memref<10240x128xf32, #tpu.memory_space<vmem_shared>> -> memref<80x128xf32, #tpu.memory_space<vmem_shared>>
      tpu.enqueue_dma source(%arg7 : memref<80x128xf32, #tpu.memory_space<vmem>>) target(%dma_start3A_172 : memref<80x128xf32, #tpu.memory_space<vmem_shared>>) target_semaphore(%run_scoped3A : memref<!tpu.dma_semaphore, #tpu.memory_space<semaphore_mem>>)
      %dma_wait3A_173 = arith.constant 0 : i32
      %dma_wait3A_174 = tpu.memref_slice %arg9[%add3A_25, %dma_wait3A_173] : memref<10240x128xf32, #tpu.memory_space<vmem_shared>> -> memref<80x128xf32, #tpu.memory_space<vmem_shared>>
      %dma_wait3A_175 = arith.constant 0 : i32
      %dma_wait3A_176 = tpu.memref_slice %arg9[%add3A_25, %dma_wait3A_175] : memref<10240x128xf32, #tpu.memory_space<vmem_shared>> -> memref<80x128xf32, #tpu.memory_space<vmem_shared>>
      tpu.wait_dma2 semaphore(%run_scoped3A : memref<!tpu.dma_semaphore, #tpu.memory_space<semaphore_mem>>) src(%arg7 : memref<80x128xf32, #tpu.memory_space<vmem>>) dst(%dma_wait3A_176 : memref<80x128xf32, #tpu.memory_space<vmem_shared>>)
      tpu.yield
    }) : () -> ()
    %add3A_26 = arith.constant 80 : i32
    %add3A_27 = arith.addi %mul3A_23, %add3A_26 : i32
    "tpu.region"() ({
      %run_scoped3A = tpu.sem_alloc : memref<!tpu.dma_semaphore, #tpu.memory_space<semaphore_mem>>
      %dma_start3A_169 = arith.constant 0 : i32
      %dma_start3A_170 = tpu.memref_slice %arg9[%add3A_27, %dma_start3A_169] : memref<10240x128xf32, #tpu.memory_space<vmem_shared>> -> memref<80x128xf32, #tpu.memory_space<vmem_shared>>
      %dma_start3A_171 = arith.constant 0 : i32
      %dma_start3A_172 = tpu.memref_slice %arg9[%add3A_27, %dma_start3A_171] : memref<10240x128xf32, #tpu.memory_space<vmem_shared>> -> memref<80x128xf32, #tpu.memory_space<vmem_shared>>
      tpu.enqueue_dma source(%arg7 : memref<80x128xf32, #tpu.memory_space<vmem>>) target(%dma_start3A_172 : memref<80x128xf32, #tpu.memory_space<vmem_shared>>) target_semaphore(%run_scoped3A : memref<!tpu.dma_semaphore, #tpu.memory_space<semaphore_mem>>)
      %dma_wait3A_173 = arith.constant 0 : i32
      %dma_wait3A_174 = tpu.memref_slice %arg9[%add3A_27, %dma_wait3A_173] : memref<10240x128xf32, #tpu.memory_space<vmem_shared>> -> memref<80x128xf32, #tpu.memory_space<vmem_shared>>
      %dma_wait3A_175 = arith.constant 0 : i32
      %dma_wait3A_176 = tpu.memref_slice %arg9[%add3A_27, %dma_wait3A_175] : memref<10240x128xf32, #tpu.memory_space<vmem_shared>> -> memref<80x128xf32, #tpu.memory_space<vmem_shared>>
      tpu.wait_dma2 semaphore(%run_scoped3A : memref<!tpu.dma_semaphore, #tpu.memory_space<semaphore_mem>>) src(%arg7 : memref<80x128xf32, #tpu.memory_space<vmem>>) dst(%dma_wait3A_176 : memref<80x128xf32, #tpu.memory_space<vmem_shared>>)
      tpu.yield
    }) : () -> ()
    %add3A_28 = arith.constant 160 : i32
    %add3A_29 = arith.addi %mul3A_23, %add3A_28 : i32
    "tpu.region"() ({
      %run_scoped3A = tpu.sem_alloc : memref<!tpu.dma_semaphore, #tpu.memory_space<semaphore_mem>>
      %dma_start3A_169 = arith.constant 0 : i32
      %dma_start3A_170 = tpu.memref_slice %arg9[%add3A_29, %dma_start3A_169] : memref<10240x128xf32, #tpu.memory_space<vmem_shared>> -> memref<80x128xf32, #tpu.memory_space<vmem_shared>>
      %dma_start3A_171 = arith.constant 0 : i32
      %dma_start3A_172 = tpu.memref_slice %arg9[%add3A_29, %dma_start3A_171] : memref<10240x128xf32, #tpu.memory_space<vmem_shared>> -> memref<80x128xf32, #tpu.memory_space<vmem_shared>>
      tpu.enqueue_dma source(%arg7 : memref<80x128xf32, #tpu.memory_space<vmem>>) target(%dma_start3A_172 : memref<80x128xf32, #tpu.memory_space<vmem_shared>>) target_semaphore(%run_scoped3A : memref<!tpu.dma_semaphore, #tpu.memory_space<semaphore_mem>>)
      %dma_wait3A_173 = arith.constant 0 : i32
      %dma_wait3A_174 = tpu.memref_slice %arg9[%add3A_29, %dma_wait3A_173] : memref<10240x128xf32, #tpu.memory_space<vmem_shared>> -> memref<80x128xf32, #tpu.memory_space<vmem_shared>>
      %dma_wait3A_175 = arith.constant 0 : i32
      %dma_wait3A_176 = tpu.memref_slice %arg9[%add3A_29, %dma_wait3A_175] : memref<10240x128xf32, #tpu.memory_space<vmem_shared>> -> memref<80x128xf32, #tpu.memory_space<vmem_shared>>
      tpu.wait_dma2 semaphore(%run_scoped3A : memref<!tpu.dma_semaphore, #tpu.memory_space<semaphore_mem>>) src(%arg7 : memref<80x128xf32, #tpu.memory_space<vmem>>) dst(%dma_wait3A_176 : memref<80x128xf32, #tpu.memory_space<vmem_shared>>)
      tpu.yield
    }) : () -> ()
    %add3A_30 = arith.constant 240 : i32
    %add3A_31 = arith.addi %mul3A_23, %add3A_30 : i32
    "tpu.region"() ({
      %run_scoped3A = tpu.sem_alloc : memref<!tpu.dma_semaphore, #tpu.memory_space<semaphore_mem>>
      %dma_start3A_169 = arith.constant 0 : i32
      %dma_start3A_170 = tpu.memref_slice %arg9[%add3A_31, %dma_start3A_169] : memref<10240x128xf32, #tpu.memory_space<vmem_shared>> -> memref<80x128xf32, #tpu.memory_space<vmem_shared>>
      %dma_start3A_171 = arith.constant 0 : i32
      %dma_start3A_172 = tpu.memref_slice %arg9[%add3A_31, %dma_start3A_171] : memref<10240x128xf32, #tpu.memory_space<vmem_shared>> -> memref<80x128xf32, #tpu.memory_space<vmem_shared>>
      tpu.enqueue_dma source(%arg7 : memref<80x128xf32, #tpu.memory_space<vmem>>) target(%dma_start3A_172 : memref<80x128xf32, #tpu.memory_space<vmem_shared>>) target_semaphore(%run_scoped3A : memref<!tpu.dma_semaphore, #tpu.memory_space<semaphore_mem>>)
      %dma_wait3A_173 = arith.constant 0 : i32
      %dma_wait3A_174 = tpu.memref_slice %arg9[%add3A_31, %dma_wait3A_173] : memref<10240x128xf32, #tpu.memory_space<vmem_shared>> -> memref<80x128xf32, #tpu.memory_space<vmem_shared>>
      %dma_wait3A_175 = arith.constant 0 : i32
      %dma_wait3A_176 = tpu.memref_slice %arg9[%add3A_31, %dma_wait3A_175] : memref<10240x128xf32, #tpu.memory_space<vmem_shared>> -> memref<80x128xf32, #tpu.memory_space<vmem_shared>>
      tpu.wait_dma2 semaphore(%run_scoped3A : memref<!tpu.dma_semaphore, #tpu.memory_space<semaphore_mem>>) src(%arg7 : memref<80x128xf32, #tpu.memory_space<vmem>>) dst(%dma_wait3A_176 : memref<80x128xf32, #tpu.memory_space<vmem_shared>>)
      tpu.yield
    }) : () -> ()
    %add3A_32 = arith.constant 320 : i32
    %add3A_33 = arith.addi %mul3A_23, %add3A_32 : i32
    "tpu.region"() ({
      %run_scoped3A = tpu.sem_alloc : memref<!tpu.dma_semaphore, #tpu.memory_space<semaphore_mem>>
      %dma_start3A_169 = arith.constant 0 : i32
      %dma_start3A_170 = tpu.memref_slice %arg9[%add3A_33, %dma_start3A_169] : memref<10240x128xf32, #tpu.memory_space<vmem_shared>> -> memref<80x128xf32, #tpu.memory_space<vmem_shared>>
      %dma_start3A_171 = arith.constant 0 : i32
      %dma_start3A_172 = tpu.memref_slice %arg9[%add3A_33, %dma_start3A_171] : memref<10240x128xf32, #tpu.memory_space<vmem_shared>> -> memref<80x128xf32, #tpu.memory_space<vmem_shared>>
      tpu.enqueue_dma source(%arg7 : memref<80x128xf32, #tpu.memory_space<vmem>>) target(%dma_start3A_172 : memref<80x128xf32, #tpu.memory_space<vmem_shared>>) target_semaphore(%run_scoped3A : memref<!tpu.dma_semaphore, #tpu.memory_space<semaphore_mem>>)
      %dma_wait3A_173 = arith.constant 0 : i32
      %dma_wait3A_174 = tpu.memref_slice %arg9[%add3A_33, %dma_wait3A_173] : memref<10240x128xf32, #tpu.memory_space<vmem_shared>> -> memref<80x128xf32, #tpu.memory_space<vmem_shared>>
      %dma_wait3A_175 = arith.constant 0 : i32
      %dma_wait3A_176 = tpu.memref_slice %arg9[%add3A_33, %dma_wait3A_175] : memref<10240x128xf32, #tpu.memory_space<vmem_shared>> -> memref<80x128xf32, #tpu.memory_space<vmem_shared>>
      tpu.wait_dma2 semaphore(%run_scoped3A : memref<!tpu.dma_semaphore, #tpu.memory_space<semaphore_mem>>) src(%arg7 : memref<80x128xf32, #tpu.memory_space<vmem>>) dst(%dma_wait3A_176 : memref<80x128xf32, #tpu.memory_space<vmem_shared>>)
      tpu.yield
    }) : () -> ()
    %add3A_34 = arith.constant 400 : i32
    %add3A_35 = arith.addi %mul3A_23, %add3A_34 : i32
    "tpu.region"() ({
      %run_scoped3A = tpu.sem_alloc : memref<!tpu.dma_semaphore, #tpu.memory_space<semaphore_mem>>
      %dma_start3A_169 = arith.constant 0 : i32
      %dma_start3A_170 = tpu.memref_slice %arg9[%add3A_35, %dma_start3A_169] : memref<10240x128xf32, #tpu.memory_space<vmem_shared>> -> memref<80x128xf32, #tpu.memory_space<vmem_shared>>
      %dma_start3A_171 = arith.constant 0 : i32
      %dma_start3A_172 = tpu.memref_slice %arg9[%add3A_35, %dma_start3A_171] : memref<10240x128xf32, #tpu.memory_space<vmem_shared>> -> memref<80x128xf32, #tpu.memory_space<vmem_shared>>
      tpu.enqueue_dma source(%arg7 : memref<80x128xf32, #tpu.memory_space<vmem>>) target(%dma_start3A_172 : memref<80x128xf32, #tpu.memory_space<vmem_shared>>) target_semaphore(%run_scoped3A : memref<!tpu.dma_semaphore, #tpu.memory_space<semaphore_mem>>)
      %dma_wait3A_173 = arith.constant 0 : i32
      %dma_wait3A_174 = tpu.memref_slice %arg9[%add3A_35, %dma_wait3A_173] : memref<10240x128xf32, #tpu.memory_space<vmem_shared>> -> memref<80x128xf32, #tpu.memory_space<vmem_shared>>
      %dma_wait3A_175 = arith.constant 0 : i32
      %dma_wait3A_176 = tpu.memref_slice %arg9[%add3A_35, %dma_wait3A_175] : memref<10240x128xf32, #tpu.memory_space<vmem_shared>> -> memref<80x128xf32, #tpu.memory_space<vmem_shared>>
      tpu.wait_dma2 semaphore(%run_scoped3A : memref<!tpu.dma_semaphore, #tpu.memory_space<semaphore_mem>>) src(%arg7 : memref<80x128xf32, #tpu.memory_space<vmem>>) dst(%dma_wait3A_176 : memref<80x128xf32, #tpu.memory_space<vmem_shared>>)
      tpu.yield
    }) : () -> ()
    %add3A_36 = arith.constant 480 : i32
    %add3A_37 = arith.addi %mul3A_23, %add3A_36 : i32
    "tpu.region"() ({
      %run_scoped3A = tpu.sem_alloc : memref<!tpu.dma_semaphore, #tpu.memory_space<semaphore_mem>>
      %dma_start3A_169 = arith.constant 0 : i32
      %dma_start3A_170 = tpu.memref_slice %arg9[%add3A_37, %dma_start3A_169] : memref<10240x128xf32, #tpu.memory_space<vmem_shared>> -> memref<80x128xf32, #tpu.memory_space<vmem_shared>>
      %dma_start3A_171 = arith.constant 0 : i32
      %dma_start3A_172 = tpu.memref_slice %arg9[%add3A_37, %dma_start3A_171] : memref<10240x128xf32, #tpu.memory_space<vmem_shared>> -> memref<80x128xf32, #tpu.memory_space<vmem_shared>>
      tpu.enqueue_dma source(%arg7 : memref<80x128xf32, #tpu.memory_space<vmem>>) target(%dma_start3A_172 : memref<80x128xf32, #tpu.memory_space<vmem_shared>>) target_semaphore(%run_scoped3A : memref<!tpu.dma_semaphore, #tpu.memory_space<semaphore_mem>>)
      %dma_wait3A_173 = arith.constant 0 : i32
      %dma_wait3A_174 = tpu.memref_slice %arg9[%add3A_37, %dma_wait3A_173] : memref<10240x128xf32, #tpu.memory_space<vmem_shared>> -> memref<80x128xf32, #tpu.memory_space<vmem_shared>>
      %dma_wait3A_175 = arith.constant 0 : i32
      %dma_wait3A_176 = tpu.memref_slice %arg9[%add3A_37, %dma_wait3A_175] : memref<10240x128xf32, #tpu.memory_space<vmem_shared>> -> memref<80x128xf32, #tpu.memory_space<vmem_shared>>
      tpu.wait_dma2 semaphore(%run_scoped3A : memref<!tpu.dma_semaphore, #tpu.memory_space<semaphore_mem>>) src(%arg7 : memref<80x128xf32, #tpu.memory_space<vmem>>) dst(%dma_wait3A_176 : memref<80x128xf32, #tpu.memory_space<vmem_shared>>)
      tpu.yield
    }) : () -> ()
    %add3A_38 = arith.constant 560 : i32
    %add3A_39 = arith.addi %mul3A_23, %add3A_38 : i32
    "tpu.region"() ({
      %run_scoped3A = tpu.sem_alloc : memref<!tpu.dma_semaphore, #tpu.memory_space<semaphore_mem>>
      %dma_start3A_169 = arith.constant 0 : i32
      %dma_start3A_170 = tpu.memref_slice %arg9[%add3A_39, %dma_start3A_169] : memref<10240x128xf32, #tpu.memory_space<vmem_shared>> -> memref<80x128xf32, #tpu.memory_space<vmem_shared>>
      %dma_start3A_171 = arith.constant 0 : i32
      %dma_start3A_172 = tpu.memref_slice %arg9[%add3A_39, %dma_start3A_171] : memref<10240x128xf32, #tpu.memory_space<vmem_shared>> -> memref<80x128xf32, #tpu.memory_space<vmem_shared>>
      tpu.enqueue_dma source(%arg7 : memref<80x128xf32, #tpu.memory_space<vmem>>) target(%dma_start3A_172 : memref<80x128xf32, #tpu.memory_space<vmem_shared>>) target_semaphore(%run_scoped3A : memref<!tpu.dma_semaphore, #tpu.memory_space<semaphore_mem>>)
      %dma_wait3A_173 = arith.constant 0 : i32
      %dma_wait3A_174 = tpu.memref_slice %arg9[%add3A_39, %dma_wait3A_173] : memref<10240x128xf32, #tpu.memory_space<vmem_shared>> -> memref<80x128xf32, #tpu.memory_space<vmem_shared>>
      %dma_wait3A_175 = arith.constant 0 : i32
      %dma_wait3A_176 = tpu.memref_slice %arg9[%add3A_39, %dma_wait3A_175] : memref<10240x128xf32, #tpu.memory_space<vmem_shared>> -> memref<80x128xf32, #tpu.memory_space<vmem_shared>>
      tpu.wait_dma2 semaphore(%run_scoped3A : memref<!tpu.dma_semaphore, #tpu.memory_space<semaphore_mem>>) src(%arg7 : memref<80x128xf32, #tpu.memory_space<vmem>>) dst(%dma_wait3A_176 : memref<80x128xf32, #tpu.memory_space<vmem_shared>>)
      tpu.yield
    }) : () -> ()
    %barrier3A = arith.constant 0 : index
    tpu.barrier barrier_id(%barrier3A)
    %dma_wait3A = arith.constant 0 : i32
    %dma_wait3A_40 = arith.constant 0 : i32
    %dma_wait3A_41 = arith.constant 0 : i32
    %dma_wait3A_42 = tpu.memref_slice %arg3[%add3A, %dma_wait3A, %dma_wait3A_40, %dma_wait3A_41] : memref<32x125x2x80xi32, #tpu.memory_space<hbm>> -> memref<1x1x2x80xi32, #tpu.memory_space<hbm>>
    %dma_wait3A_43 = tpu.memref_squeeze %dma_wait3A_42 : memref<1x1x2x80xi32, #tpu.memory_space<hbm>> -> memref<2x80xi32, #tpu.memory_space<hbm>>
    %dma_wait3A_44 = arith.constant 0 : i32
    %dma_wait3A_45 = arith.constant 0 : i32
    %dma_wait3A_46 = tpu.memref_slice %arg3[%add3A, %dma_wait3A, %dma_wait3A_44, %dma_wait3A_45] : memref<32x125x2x80xi32, #tpu.memory_space<hbm>> -> memref<1x1x2x80xi32, #tpu.memory_space<hbm>>
    %dma_wait3A_47 = tpu.memref_squeeze %dma_wait3A_46 : memref<1x1x2x80xi32, #tpu.memory_space<hbm>> -> memref<2x80xi32, #tpu.memory_space<hbm>>
    tpu.wait_dma2 semaphore(%arg10 : memref<!tpu.dma_semaphore, #tpu.memory_space<semaphore_mem>>) src(%dma_wait3A_47 : memref<2x80xi32, #tpu.memory_space<hbm>>) dst(%arg5 : memref<2x80xi32, #tpu.memory_space<vmem>>)
    %dma_start3A_48 = arith.constant 0 : i32
    %dma_start3A_49 = arith.constant 0 : i32
    %dma_start3A_50 = tpu.memref_slice %arg5[%dma_start3A_48, %dma_start3A_49] : memref<2x80xi32, #tpu.memory_space<vmem>> -> memref<1x80xi32, #tpu.memory_space<vmem>>
    %dma_start3A_51 = tpu.memref_squeeze %dma_start3A_50 : memref<1x80xi32, #tpu.memory_space<vmem>> -> memref<80xi32, #tpu.memory_space<vmem>>
    %dma_start3A_52 = arith.constant 0 : i32
    %dma_start3A_53 = arith.constant 0 : i32
    %dma_start3A_54 = tpu.memref_slice %arg2[%dma_start3A_52, %dma_start3A_53] : memref<10240x128xf32, #tpu.memory_space<hbm>> -> memref<10240x128xf32, #tpu.memory_space<hbm>>
    tpu.enqueue_indirect_dma source(%dma_start3A_54 : memref<10240x128xf32, #tpu.memory_space<hbm>>) target(%arg7 : memref<80x128xf32, #tpu.memory_space<vmem>>) offsets(%dma_start3A_51 : memref<80xi32, #tpu.memory_space<vmem>>) semaphore(%arg12 : memref<!tpu.dma_semaphore, #tpu.memory_space<semaphore_mem>>)
    %dma_wait3A_55 = arith.constant 0 : i32
    %dma_wait3A_56 = arith.constant 0 : i32
    %dma_wait3A_57 = arith.constant 0 : i32
    %dma_wait3A_58 = tpu.memref_slice %arg3[%add3A, %dma_wait3A_55, %dma_wait3A_56, %dma_wait3A_57] : memref<32x125x2x80xi32, #tpu.memory_space<hbm>> -> memref<1x1x2x80xi32, #tpu.memory_space<hbm>>
    %dma_wait3A_59 = tpu.memref_squeeze %dma_wait3A_58 : memref<1x1x2x80xi32, #tpu.memory_space<hbm>> -> memref<2x80xi32, #tpu.memory_space<hbm>>
    %dma_wait3A_60 = arith.constant 0 : i32
    %dma_wait3A_61 = arith.constant 0 : i32
    %dma_wait3A_62 = tpu.memref_slice %arg3[%add3A, %dma_wait3A_55, %dma_wait3A_60, %dma_wait3A_61] : memref<32x125x2x80xi32, #tpu.memory_space<hbm>> -> memref<1x1x2x80xi32, #tpu.memory_space<hbm>>
    %dma_wait3A_63 = tpu.memref_squeeze %dma_wait3A_62 : memref<1x1x2x80xi32, #tpu.memory_space<hbm>> -> memref<2x80xi32, #tpu.memory_space<hbm>>
    tpu.wait_dma2 semaphore(%arg11 : memref<!tpu.dma_semaphore, #tpu.memory_space<semaphore_mem>>) src(%dma_wait3A_63 : memref<2x80xi32, #tpu.memory_space<hbm>>) dst(%arg6 : memref<2x80xi32, #tpu.memory_space<vmem>>)
    %dma_start3A_64 = arith.constant 0 : i32
    %dma_start3A_65 = arith.constant 0 : i32
    %dma_start3A_66 = tpu.memref_slice %arg6[%dma_start3A_64, %dma_start3A_65] : memref<2x80xi32, #tpu.memory_space<vmem>> -> memref<1x80xi32, #tpu.memory_space<vmem>>
    %dma_start3A_67 = tpu.memref_squeeze %dma_start3A_66 : memref<1x80xi32, #tpu.memory_space<vmem>> -> memref<80xi32, #tpu.memory_space<vmem>>
    %dma_start3A_68 = arith.constant 0 : i32
    %dma_start3A_69 = arith.constant 0 : i32
    %dma_start3A_70 = tpu.memref_slice %arg2[%dma_start3A_68, %dma_start3A_69] : memref<10240x128xf32, #tpu.memory_space<hbm>> -> memref<10240x128xf32, #tpu.memory_space<hbm>>
    tpu.enqueue_indirect_dma source(%dma_start3A_70 : memref<10240x128xf32, #tpu.memory_space<hbm>>) target(%arg8 : memref<80x128xf32, #tpu.memory_space<vmem>>) offsets(%dma_start3A_67 : memref<80xi32, #tpu.memory_space<vmem>>) semaphore(%arg13 : memref<!tpu.dma_semaphore, #tpu.memory_space<semaphore_mem>>)
    %scan3A_71 = arith.constant 0 : i32
    %scan3A_72 = arith.constant 61 : i32
    %scan3A_73 = arith.addi %scan3A_71, %scan3A_72 : i32
    %scan3A_74 = arith.constant 1 : i32
    scf.for %scan3A_169 = %scan3A_71 to %scan3A_73 step %scan3A_74  : i32 {
      %mul3A_170 = arith.constant 2 : i32
      %mul3A_171 = arith.muli %mul3A_170, %scan3A_169 : i32
      %dma_wait3A_172 = arith.constant 0 : i32
      %dma_wait3A_173 = arith.constant 0 : i32
      %dma_wait3A_174 = tpu.memref_slice %arg5[%dma_wait3A_172, %dma_wait3A_173] : memref<2x80xi32, #tpu.memory_space<vmem>> -> memref<1x80xi32, #tpu.memory_space<vmem>>
      %dma_wait3A_175 = tpu.memref_squeeze %dma_wait3A_174 : memref<1x80xi32, #tpu.memory_space<vmem>> -> memref<80xi32, #tpu.memory_space<vmem>>
      %dma_wait3A_176 = arith.constant 0 : i32
      %dma_wait3A_177 = arith.constant 0 : i32
      %dma_wait3A_178 = tpu.memref_slice %arg2[%dma_wait3A_176, %dma_wait3A_177] : memref<10240x128xf32, #tpu.memory_space<hbm>> -> memref<10240x128xf32, #tpu.memory_space<hbm>>
      tpu.wait_indirect_dma semaphore(%arg12 : memref<!tpu.dma_semaphore, #tpu.memory_space<semaphore_mem>>) src(%dma_wait3A_178 : memref<10240x128xf32, #tpu.memory_space<hbm>>) dst(%arg7 : memref<80x128xf32, #tpu.memory_space<vmem>>)
      %dma_start3A_179 = arith.constant 1 : i32
      %dma_start3A_180 = arith.constant 0 : i32
      %dma_start3A_181 = tpu.memref_slice %arg5[%dma_start3A_179, %dma_start3A_180] : memref<2x80xi32, #tpu.memory_space<vmem>> -> memref<1x80xi32, #tpu.memory_space<vmem>>
      %dma_start3A_182 = tpu.memref_squeeze %dma_start3A_181 : memref<1x80xi32, #tpu.memory_space<vmem>> -> memref<80xi32, #tpu.memory_space<vmem>>
      %dma_start3A_183 = arith.constant 0 : i32
      %dma_start3A_184 = arith.constant 0 : i32
      %dma_start3A_185 = tpu.memref_slice %arg9[%dma_start3A_183, %dma_start3A_184] : memref<10240x128xf32, #tpu.memory_space<vmem_shared>> -> memref<10240x128xf32, #tpu.memory_space<vmem_shared>>
      tpu.enqueue_indirect_dma source(%arg7 : memref<80x128xf32, #tpu.memory_space<vmem>>) target(%dma_start3A_185 : memref<10240x128xf32, #tpu.memory_space<vmem_shared>>) offsets(%dma_start3A_182 : memref<80xi32, #tpu.memory_space<vmem>>) semaphore(%arg14 : memref<!tpu.dma_semaphore, #tpu.memory_space<semaphore_mem>>) {add = true}
      %dma_wait3A_186 = arith.constant 1 : i32
      %dma_wait3A_187 = arith.constant 0 : i32
      %dma_wait3A_188 = tpu.memref_slice %arg5[%dma_wait3A_186, %dma_wait3A_187] : memref<2x80xi32, #tpu.memory_space<vmem>> -> memref<1x80xi32, #tpu.memory_space<vmem>>
      %dma_wait3A_189 = tpu.memref_squeeze %dma_wait3A_188 : memref<1x80xi32, #tpu.memory_space<vmem>> -> memref<80xi32, #tpu.memory_space<vmem>>
      %dma_wait3A_190 = arith.constant 0 : i32
      %dma_wait3A_191 = arith.constant 0 : i32
      %dma_wait3A_192 = tpu.memref_slice %arg9[%dma_wait3A_190, %dma_wait3A_191] : memref<10240x128xf32, #tpu.memory_space<vmem_shared>> -> memref<10240x128xf32, #tpu.memory_space<vmem_shared>>
      tpu.wait_indirect_dma semaphore(%arg14 : memref<!tpu.dma_semaphore, #tpu.memory_space<semaphore_mem>>) src(%arg7 : memref<80x128xf32, #tpu.memory_space<vmem>>) dst(%dma_wait3A_192 : memref<10240x128xf32, #tpu.memory_space<vmem_shared>>)
      %add3A_193 = arith.constant 2 : i32
      %add3A_194 = arith.addi %mul3A_171, %add3A_193 : i32
      %dma_start3A_195 = arith.constant 0 : i32
      %dma_start3A_196 = arith.constant 0 : i32
      %dma_start3A_197 = tpu.memref_slice %arg3[%add3A, %add3A_194, %dma_start3A_195, %dma_start3A_196] : memref<32x125x2x80xi32, #tpu.memory_space<hbm>> -> memref<1x1x2x80xi32, #tpu.memory_space<hbm>>
      %dma_start3A_198 = tpu.memref_squeeze %dma_start3A_197 : memref<1x1x2x80xi32, #tpu.memory_space<hbm>> -> memref<2x80xi32, #tpu.memory_space<hbm>>
      %dma_start3A_199 = arith.constant 0 : i32
      %dma_start3A_200 = arith.constant 0 : i32
      %dma_start3A_201 = tpu.memref_slice %arg3[%add3A, %add3A_194, %dma_start3A_199, %dma_start3A_200] : memref<32x125x2x80xi32, #tpu.memory_space<hbm>> -> memref<1x1x2x80xi32, #tpu.memory_space<hbm>>
      %dma_start3A_202 = tpu.memref_squeeze %dma_start3A_201 : memref<1x1x2x80xi32, #tpu.memory_space<hbm>> -> memref<2x80xi32, #tpu.memory_space<hbm>>
      tpu.enqueue_dma source(%dma_start3A_202 : memref<2x80xi32, #tpu.memory_space<hbm>>) target(%arg5 : memref<2x80xi32, #tpu.memory_space<vmem>>) target_semaphore(%arg10 : memref<!tpu.dma_semaphore, #tpu.memory_space<semaphore_mem>>)
      %dma_wait3A_203 = arith.constant 0 : i32
      %dma_wait3A_204 = arith.constant 0 : i32
      %dma_wait3A_205 = arith.constant 0 : i32
      %dma_wait3A_206 = tpu.memref_slice %arg3[%add3A, %dma_wait3A_203, %dma_wait3A_204, %dma_wait3A_205] : memref<32x125x2x80xi32, #tpu.memory_space<hbm>> -> memref<1x1x2x80xi32, #tpu.memory_space<hbm>>
      %dma_wait3A_207 = tpu.memref_squeeze %dma_wait3A_206 : memref<1x1x2x80xi32, #tpu.memory_space<hbm>> -> memref<2x80xi32, #tpu.memory_space<hbm>>
      %dma_wait3A_208 = arith.constant 0 : i32
      %dma_wait3A_209 = arith.constant 0 : i32
      %dma_wait3A_210 = tpu.memref_slice %arg3[%add3A, %dma_wait3A_203, %dma_wait3A_208, %dma_wait3A_209] : memref<32x125x2x80xi32, #tpu.memory_space<hbm>> -> memref<1x1x2x80xi32, #tpu.memory_space<hbm>>
      %dma_wait3A_211 = tpu.memref_squeeze %dma_wait3A_210 : memref<1x1x2x80xi32, #tpu.memory_space<hbm>> -> memref<2x80xi32, #tpu.memory_space<hbm>>
      tpu.wait_dma2 semaphore(%arg10 : memref<!tpu.dma_semaphore, #tpu.memory_space<semaphore_mem>>) src(%dma_wait3A_211 : memref<2x80xi32, #tpu.memory_space<hbm>>) dst(%arg5 : memref<2x80xi32, #tpu.memory_space<vmem>>)
      %dma_start3A_212 = arith.constant 0 : i32
      %dma_start3A_213 = arith.constant 0 : i32
      %dma_start3A_214 = tpu.memref_slice %arg5[%dma_start3A_212, %dma_start3A_213] : memref<2x80xi32, #tpu.memory_space<vmem>> -> memref<1x80xi32, #tpu.memory_space<vmem>>
      %dma_start3A_215 = tpu.memref_squeeze %dma_start3A_214 : memref<1x80xi32, #tpu.memory_space<vmem>> -> memref<80xi32, #tpu.memory_space<vmem>>
      %dma_start3A_216 = arith.constant 0 : i32
      %dma_start3A_217 = arith.constant 0 : i32
      %dma_start3A_218 = tpu.memref_slice %arg2[%dma_start3A_216, %dma_start3A_217] : memref<10240x128xf32, #tpu.memory_space<hbm>> -> memref<10240x128xf32, #tpu.memory_space<hbm>>
      tpu.enqueue_indirect_dma source(%dma_start3A_218 : memref<10240x128xf32, #tpu.memory_space<hbm>>) target(%arg7 : memref<80x128xf32, #tpu.memory_space<vmem>>) offsets(%dma_start3A_215 : memref<80xi32, #tpu.memory_space<vmem>>) semaphore(%arg12 : memref<!tpu.dma_semaphore, #tpu.memory_space<semaphore_mem>>)
      %dma_wait3A_219 = arith.constant 0 : i32
      %dma_wait3A_220 = arith.constant 0 : i32
      %dma_wait3A_221 = tpu.memref_slice %arg6[%dma_wait3A_219, %dma_wait3A_220] : memref<2x80xi32, #tpu.memory_space<vmem>> -> memref<1x80xi32, #tpu.memory_space<vmem>>
      %dma_wait3A_222 = tpu.memref_squeeze %dma_wait3A_221 : memref<1x80xi32, #tpu.memory_space<vmem>> -> memref<80xi32, #tpu.memory_space<vmem>>
      %dma_wait3A_223 = arith.constant 0 : i32
      %dma_wait3A_224 = arith.constant 0 : i32
      %dma_wait3A_225 = tpu.memref_slice %arg2[%dma_wait3A_223, %dma_wait3A_224] : memref<10240x128xf32, #tpu.memory_space<hbm>> -> memref<10240x128xf32, #tpu.memory_space<hbm>>
      tpu.wait_indirect_dma semaphore(%arg13 : memref<!tpu.dma_semaphore, #tpu.memory_space<semaphore_mem>>) src(%dma_wait3A_225 : memref<10240x128xf32, #tpu.memory_space<hbm>>) dst(%arg8 : memref<80x128xf32, #tpu.memory_space<vmem>>)
      %dma_start3A_226 = arith.constant 1 : i32
      %dma_start3A_227 = arith.constant 0 : i32
      %dma_start3A_228 = tpu.memref_slice %arg6[%dma_start3A_226, %dma_start3A_227] : memref<2x80xi32, #tpu.memory_space<vmem>> -> memref<1x80xi32, #tpu.memory_space<vmem>>
      %dma_start3A_229 = tpu.memref_squeeze %dma_start3A_228 : memref<1x80xi32, #tpu.memory_space<vmem>> -> memref<80xi32, #tpu.memory_space<vmem>>
      %dma_start3A_230 = arith.constant 0 : i32
      %dma_start3A_231 = arith.constant 0 : i32
      %dma_start3A_232 = tpu.memref_slice %arg9[%dma_start3A_230, %dma_start3A_231] : memref<10240x128xf32, #tpu.memory_space<vmem_shared>> -> memref<10240x128xf32, #tpu.memory_space<vmem_shared>>
      tpu.enqueue_indirect_dma source(%arg8 : memref<80x128xf32, #tpu.memory_space<vmem>>) target(%dma_start3A_232 : memref<10240x128xf32, #tpu.memory_space<vmem_shared>>) offsets(%dma_start3A_229 : memref<80xi32, #tpu.memory_space<vmem>>) semaphore(%arg15 : memref<!tpu.dma_semaphore, #tpu.memory_space<semaphore_mem>>) {add = true}
      %dma_wait3A_233 = arith.constant 1 : i32
      %dma_wait3A_234 = arith.constant 0 : i32
      %dma_wait3A_235 = tpu.memref_slice %arg6[%dma_wait3A_233, %dma_wait3A_234] : memref<2x80xi32, #tpu.memory_space<vmem>> -> memref<1x80xi32, #tpu.memory_space<vmem>>
      %dma_wait3A_236 = tpu.memref_squeeze %dma_wait3A_235 : memref<1x80xi32, #tpu.memory_space<vmem>> -> memref<80xi32, #tpu.memory_space<vmem>>
      %dma_wait3A_237 = arith.constant 0 : i32
      %dma_wait3A_238 = arith.constant 0 : i32
      %dma_wait3A_239 = tpu.memref_slice %arg9[%dma_wait3A_237, %dma_wait3A_238] : memref<10240x128xf32, #tpu.memory_space<vmem_shared>> -> memref<10240x128xf32, #tpu.memory_space<vmem_shared>>
      tpu.wait_indirect_dma semaphore(%arg15 : memref<!tpu.dma_semaphore, #tpu.memory_space<semaphore_mem>>) src(%arg8 : memref<80x128xf32, #tpu.memory_space<vmem>>) dst(%dma_wait3A_239 : memref<10240x128xf32, #tpu.memory_space<vmem_shared>>)
      %add3A_240 = arith.constant 3 : i32
      %add3A_241 = arith.addi %mul3A_171, %add3A_240 : i32
      %dma_start3A_242 = arith.constant 0 : i32
      %dma_start3A_243 = arith.constant 0 : i32
      %dma_start3A_244 = tpu.memref_slice %arg3[%add3A, %add3A_241, %dma_start3A_242, %dma_start3A_243] : memref<32x125x2x80xi32, #tpu.memory_space<hbm>> -> memref<1x1x2x80xi32, #tpu.memory_space<hbm>>
      %dma_start3A_245 = tpu.memref_squeeze %dma_start3A_244 : memref<1x1x2x80xi32, #tpu.memory_space<hbm>> -> memref<2x80xi32, #tpu.memory_space<hbm>>
      %dma_start3A_246 = arith.constant 0 : i32
      %dma_start3A_247 = arith.constant 0 : i32
      %dma_start3A_248 = tpu.memref_slice %arg3[%add3A, %add3A_241, %dma_start3A_246, %dma_start3A_247] : memref<32x125x2x80xi32, #tpu.memory_space<hbm>> -> memref<1x1x2x80xi32, #tpu.memory_space<hbm>>
      %dma_start3A_249 = tpu.memref_squeeze %dma_start3A_248 : memref<1x1x2x80xi32, #tpu.memory_space<hbm>> -> memref<2x80xi32, #tpu.memory_space<hbm>>
      tpu.enqueue_dma source(%dma_start3A_249 : memref<2x80xi32, #tpu.memory_space<hbm>>) target(%arg6 : memref<2x80xi32, #tpu.memory_space<vmem>>) target_semaphore(%arg11 : memref<!tpu.dma_semaphore, #tpu.memory_space<semaphore_mem>>)
      %dma_wait3A_250 = arith.constant 0 : i32
      %dma_wait3A_251 = arith.constant 0 : i32
      %dma_wait3A_252 = arith.constant 0 : i32
      %dma_wait3A_253 = tpu.memref_slice %arg3[%add3A, %dma_wait3A_250, %dma_wait3A_251, %dma_wait3A_252] : memref<32x125x2x80xi32, #tpu.memory_space<hbm>> -> memref<1x1x2x80xi32, #tpu.memory_space<hbm>>
      %dma_wait3A_254 = tpu.memref_squeeze %dma_wait3A_253 : memref<1x1x2x80xi32, #tpu.memory_space<hbm>> -> memref<2x80xi32, #tpu.memory_space<hbm>>
      %dma_wait3A_255 = arith.constant 0 : i32
      %dma_wait3A_256 = arith.constant 0 : i32
      %dma_wait3A_257 = tpu.memref_slice %arg3[%add3A, %dma_wait3A_250, %dma_wait3A_255, %dma_wait3A_256] : memref<32x125x2x80xi32, #tpu.memory_space<hbm>> -> memref<1x1x2x80xi32, #tpu.memory_space<hbm>>
      %dma_wait3A_258 = tpu.memref_squeeze %dma_wait3A_257 : memref<1x1x2x80xi32, #tpu.memory_space<hbm>> -> memref<2x80xi32, #tpu.memory_space<hbm>>
      tpu.wait_dma2 semaphore(%arg11 : memref<!tpu.dma_semaphore, #tpu.memory_space<semaphore_mem>>) src(%dma_wait3A_258 : memref<2x80xi32, #tpu.memory_space<hbm>>) dst(%arg6 : memref<2x80xi32, #tpu.memory_space<vmem>>)
      %dma_start3A_259 = arith.constant 0 : i32
      %dma_start3A_260 = arith.constant 0 : i32
      %dma_start3A_261 = tpu.memref_slice %arg6[%dma_start3A_259, %dma_start3A_260] : memref<2x80xi32, #tpu.memory_space<vmem>> -> memref<1x80xi32, #tpu.memory_space<vmem>>
      %dma_start3A_262 = tpu.memref_squeeze %dma_start3A_261 : memref<1x80xi32, #tpu.memory_space<vmem>> -> memref<80xi32, #tpu.memory_space<vmem>>
      %dma_start3A_263 = arith.constant 0 : i32
      %dma_start3A_264 = arith.constant 0 : i32
      %dma_start3A_265 = tpu.memref_slice %arg2[%dma_start3A_263, %dma_start3A_264] : memref<10240x128xf32, #tpu.memory_space<hbm>> -> memref<10240x128xf32, #tpu.memory_space<hbm>>
      tpu.enqueue_indirect_dma source(%dma_start3A_265 : memref<10240x128xf32, #tpu.memory_space<hbm>>) target(%arg8 : memref<80x128xf32, #tpu.memory_space<vmem>>) offsets(%dma_start3A_262 : memref<80xi32, #tpu.memory_space<vmem>>) semaphore(%arg13 : memref<!tpu.dma_semaphore, #tpu.memory_space<semaphore_mem>>)
    }
    %scan3A_75 = arith.constant 61 : i32
    %dma_wait3A_76 = arith.constant 0 : i32
    %dma_wait3A_77 = arith.constant 0 : i32
    %dma_wait3A_78 = tpu.memref_slice %arg5[%dma_wait3A_76, %dma_wait3A_77] : memref<2x80xi32, #tpu.memory_space<vmem>> -> memref<1x80xi32, #tpu.memory_space<vmem>>
    %dma_wait3A_79 = tpu.memref_squeeze %dma_wait3A_78 : memref<1x80xi32, #tpu.memory_space<vmem>> -> memref<80xi32, #tpu.memory_space<vmem>>
    %dma_wait3A_80 = arith.constant 0 : i32
    %dma_wait3A_81 = arith.constant 0 : i32
    %dma_wait3A_82 = tpu.memref_slice %arg2[%dma_wait3A_80, %dma_wait3A_81] : memref<10240x128xf32, #tpu.memory_space<hbm>> -> memref<10240x128xf32, #tpu.memory_space<hbm>>
    tpu.wait_indirect_dma semaphore(%arg12 : memref<!tpu.dma_semaphore, #tpu.memory_space<semaphore_mem>>) src(%dma_wait3A_82 : memref<10240x128xf32, #tpu.memory_space<hbm>>) dst(%arg7 : memref<80x128xf32, #tpu.memory_space<vmem>>)
    %dma_start3A_83 = arith.constant 1 : i32
    %dma_start3A_84 = arith.constant 0 : i32
    %dma_start3A_85 = tpu.memref_slice %arg5[%dma_start3A_83, %dma_start3A_84] : memref<2x80xi32, #tpu.memory_space<vmem>> -> memref<1x80xi32, #tpu.memory_space<vmem>>
    %dma_start3A_86 = tpu.memref_squeeze %dma_start3A_85 : memref<1x80xi32, #tpu.memory_space<vmem>> -> memref<80xi32, #tpu.memory_space<vmem>>
    %dma_start3A_87 = arith.constant 0 : i32
    %dma_start3A_88 = arith.constant 0 : i32
    %dma_start3A_89 = tpu.memref_slice %arg9[%dma_start3A_87, %dma_start3A_88] : memref<10240x128xf32, #tpu.memory_space<vmem_shared>> -> memref<10240x128xf32, #tpu.memory_space<vmem_shared>>
    tpu.enqueue_indirect_dma source(%arg7 : memref<80x128xf32, #tpu.memory_space<vmem>>) target(%dma_start3A_89 : memref<10240x128xf32, #tpu.memory_space<vmem_shared>>) offsets(%dma_start3A_86 : memref<80xi32, #tpu.memory_space<vmem>>) semaphore(%arg14 : memref<!tpu.dma_semaphore, #tpu.memory_space<semaphore_mem>>) {add = true}
    %dma_wait3A_90 = arith.constant 1 : i32
    %dma_wait3A_91 = arith.constant 0 : i32
    %dma_wait3A_92 = tpu.memref_slice %arg5[%dma_wait3A_90, %dma_wait3A_91] : memref<2x80xi32, #tpu.memory_space<vmem>> -> memref<1x80xi32, #tpu.memory_space<vmem>>
    %dma_wait3A_93 = tpu.memref_squeeze %dma_wait3A_92 : memref<1x80xi32, #tpu.memory_space<vmem>> -> memref<80xi32, #tpu.memory_space<vmem>>
    %dma_wait3A_94 = arith.constant 0 : i32
    %dma_wait3A_95 = arith.constant 0 : i32
    %dma_wait3A_96 = tpu.memref_slice %arg9[%dma_wait3A_94, %dma_wait3A_95] : memref<10240x128xf32, #tpu.memory_space<vmem_shared>> -> memref<10240x128xf32, #tpu.memory_space<vmem_shared>>
    tpu.wait_indirect_dma semaphore(%arg14 : memref<!tpu.dma_semaphore, #tpu.memory_space<semaphore_mem>>) src(%arg7 : memref<80x128xf32, #tpu.memory_space<vmem>>) dst(%dma_wait3A_96 : memref<10240x128xf32, #tpu.memory_space<vmem_shared>>)
    %dma_start3A_97 = arith.constant 124 : i32
    %dma_start3A_98 = arith.constant 0 : i32
    %dma_start3A_99 = arith.constant 0 : i32
    %dma_start3A_100 = tpu.memref_slice %arg3[%add3A, %dma_start3A_97, %dma_start3A_98, %dma_start3A_99] : memref<32x125x2x80xi32, #tpu.memory_space<hbm>> -> memref<1x1x2x80xi32, #tpu.memory_space<hbm>>
    %dma_start3A_101 = tpu.memref_squeeze %dma_start3A_100 : memref<1x1x2x80xi32, #tpu.memory_space<hbm>> -> memref<2x80xi32, #tpu.memory_space<hbm>>
    %dma_start3A_102 = arith.constant 0 : i32
    %dma_start3A_103 = arith.constant 0 : i32
    %dma_start3A_104 = tpu.memref_slice %arg3[%add3A, %dma_start3A_97, %dma_start3A_102, %dma_start3A_103] : memref<32x125x2x80xi32, #tpu.memory_space<hbm>> -> memref<1x1x2x80xi32, #tpu.memory_space<hbm>>
    %dma_start3A_105 = tpu.memref_squeeze %dma_start3A_104 : memref<1x1x2x80xi32, #tpu.memory_space<hbm>> -> memref<2x80xi32, #tpu.memory_space<hbm>>
    tpu.enqueue_dma source(%dma_start3A_105 : memref<2x80xi32, #tpu.memory_space<hbm>>) target(%arg5 : memref<2x80xi32, #tpu.memory_space<vmem>>) target_semaphore(%arg10 : memref<!tpu.dma_semaphore, #tpu.memory_space<semaphore_mem>>)
    %dma_wait3A_106 = arith.constant 0 : i32
    %dma_wait3A_107 = arith.constant 0 : i32
    %dma_wait3A_108 = arith.constant 0 : i32
    %dma_wait3A_109 = tpu.memref_slice %arg3[%add3A, %dma_wait3A_106, %dma_wait3A_107, %dma_wait3A_108] : memref<32x125x2x80xi32, #tpu.memory_space<hbm>> -> memref<1x1x2x80xi32, #tpu.memory_space<hbm>>
    %dma_wait3A_110 = tpu.memref_squeeze %dma_wait3A_109 : memref<1x1x2x80xi32, #tpu.memory_space<hbm>> -> memref<2x80xi32, #tpu.memory_space<hbm>>
    %dma_wait3A_111 = arith.constant 0 : i32
    %dma_wait3A_112 = arith.constant 0 : i32
    %dma_wait3A_113 = tpu.memref_slice %arg3[%add3A, %dma_wait3A_106, %dma_wait3A_111, %dma_wait3A_112] : memref<32x125x2x80xi32, #tpu.memory_space<hbm>> -> memref<1x1x2x80xi32, #tpu.memory_space<hbm>>
    %dma_wait3A_114 = tpu.memref_squeeze %dma_wait3A_113 : memref<1x1x2x80xi32, #tpu.memory_space<hbm>> -> memref<2x80xi32, #tpu.memory_space<hbm>>
    tpu.wait_dma2 semaphore(%arg10 : memref<!tpu.dma_semaphore, #tpu.memory_space<semaphore_mem>>) src(%dma_wait3A_114 : memref<2x80xi32, #tpu.memory_space<hbm>>) dst(%arg5 : memref<2x80xi32, #tpu.memory_space<vmem>>)
    %dma_start3A_115 = arith.constant 0 : i32
    %dma_start3A_116 = arith.constant 0 : i32
    %dma_start3A_117 = tpu.memref_slice %arg5[%dma_start3A_115, %dma_start3A_116] : memref<2x80xi32, #tpu.memory_space<vmem>> -> memref<1x80xi32, #tpu.memory_space<vmem>>
    %dma_start3A_118 = tpu.memref_squeeze %dma_start3A_117 : memref<1x80xi32, #tpu.memory_space<vmem>> -> memref<80xi32, #tpu.memory_space<vmem>>
    %dma_start3A_119 = arith.constant 0 : i32
    %dma_start3A_120 = arith.constant 0 : i32
    %dma_start3A_121 = tpu.memref_slice %arg2[%dma_start3A_119, %dma_start3A_120] : memref<10240x128xf32, #tpu.memory_space<hbm>> -> memref<10240x128xf32, #tpu.memory_space<hbm>>
    tpu.enqueue_indirect_dma source(%dma_start3A_121 : memref<10240x128xf32, #tpu.memory_space<hbm>>) target(%arg7 : memref<80x128xf32, #tpu.memory_space<vmem>>) offsets(%dma_start3A_118 : memref<80xi32, #tpu.memory_space<vmem>>) semaphore(%arg12 : memref<!tpu.dma_semaphore, #tpu.memory_space<semaphore_mem>>)
    %dma_wait3A_122 = arith.constant 0 : i32
    %dma_wait3A_123 = arith.constant 0 : i32
    %dma_wait3A_124 = tpu.memref_slice %arg6[%dma_wait3A_122, %dma_wait3A_123] : memref<2x80xi32, #tpu.memory_space<vmem>> -> memref<1x80xi32, #tpu.memory_space<vmem>>
    %dma_wait3A_125 = tpu.memref_squeeze %dma_wait3A_124 : memref<1x80xi32, #tpu.memory_space<vmem>> -> memref<80xi32, #tpu.memory_space<vmem>>
    %dma_wait3A_126 = arith.constant 0 : i32
    %dma_wait3A_127 = arith.constant 0 : i32
    %dma_wait3A_128 = tpu.memref_slice %arg2[%dma_wait3A_126, %dma_wait3A_127] : memref<10240x128xf32, #tpu.memory_space<hbm>> -> memref<10240x128xf32, #tpu.memory_space<hbm>>
    tpu.wait_indirect_dma semaphore(%arg13 : memref<!tpu.dma_semaphore, #tpu.memory_space<semaphore_mem>>) src(%dma_wait3A_128 : memref<10240x128xf32, #tpu.memory_space<hbm>>) dst(%arg8 : memref<80x128xf32, #tpu.memory_space<vmem>>)
    %dma_start3A_129 = arith.constant 1 : i32
    %dma_start3A_130 = arith.constant 0 : i32
    %dma_start3A_131 = tpu.memref_slice %arg6[%dma_start3A_129, %dma_start3A_130] : memref<2x80xi32, #tpu.memory_space<vmem>> -> memref<1x80xi32, #tpu.memory_space<vmem>>
    %dma_start3A_132 = tpu.memref_squeeze %dma_start3A_131 : memref<1x80xi32, #tpu.memory_space<vmem>> -> memref<80xi32, #tpu.memory_space<vmem>>
    %dma_start3A_133 = arith.constant 0 : i32
    %dma_start3A_134 = arith.constant 0 : i32
    %dma_start3A_135 = tpu.memref_slice %arg9[%dma_start3A_133, %dma_start3A_134] : memref<10240x128xf32, #tpu.memory_space<vmem_shared>> -> memref<10240x128xf32, #tpu.memory_space<vmem_shared>>
    tpu.enqueue_indirect_dma source(%arg8 : memref<80x128xf32, #tpu.memory_space<vmem>>) target(%dma_start3A_135 : memref<10240x128xf32, #tpu.memory_space<vmem_shared>>) offsets(%dma_start3A_132 : memref<80xi32, #tpu.memory_space<vmem>>) semaphore(%arg15 : memref<!tpu.dma_semaphore, #tpu.memory_space<semaphore_mem>>) {add = true}
    %dma_wait3A_136 = arith.constant 1 : i32
    %dma_wait3A_137 = arith.constant 0 : i32
    %dma_wait3A_138 = tpu.memref_slice %arg6[%dma_wait3A_136, %dma_wait3A_137] : memref<2x80xi32, #tpu.memory_space<vmem>> -> memref<1x80xi32, #tpu.memory_space<vmem>>
    %dma_wait3A_139 = tpu.memref_squeeze %dma_wait3A_138 : memref<1x80xi32, #tpu.memory_space<vmem>> -> memref<80xi32, #tpu.memory_space<vmem>>
    %dma_wait3A_140 = arith.constant 0 : i32
    %dma_wait3A_141 = arith.constant 0 : i32
    %dma_wait3A_142 = tpu.memref_slice %arg9[%dma_wait3A_140, %dma_wait3A_141] : memref<10240x128xf32, #tpu.memory_space<vmem_shared>> -> memref<10240x128xf32, #tpu.memory_space<vmem_shared>>
    tpu.wait_indirect_dma semaphore(%arg15 : memref<!tpu.dma_semaphore, #tpu.memory_space<semaphore_mem>>) src(%arg8 : memref<80x128xf32, #tpu.memory_space<vmem>>) dst(%dma_wait3A_142 : memref<10240x128xf32, #tpu.memory_space<vmem_shared>>)
    %dma_wait3A_143 = arith.constant 0 : i32
    %dma_wait3A_144 = arith.constant 0 : i32
    %dma_wait3A_145 = tpu.memref_slice %arg5[%dma_wait3A_143, %dma_wait3A_144] : memref<2x80xi32, #tpu.memory_space<vmem>> -> memref<1x80xi32, #tpu.memory_space<vmem>>
    %dma_wait3A_146 = tpu.memref_squeeze %dma_wait3A_145 : memref<1x80xi32, #tpu.memory_space<vmem>> -> memref<80xi32, #tpu.memory_space<vmem>>
    %dma_wait3A_147 = arith.constant 0 : i32
    %dma_wait3A_148 = arith.constant 0 : i32
    %dma_wait3A_149 = tpu.memref_slice %arg2[%dma_wait3A_147, %dma_wait3A_148] : memref<10240x128xf32, #tpu.memory_space<hbm>> -> memref<10240x128xf32, #tpu.memory_space<hbm>>
    tpu.wait_indirect_dma semaphore(%arg12 : memref<!tpu.dma_semaphore, #tpu.memory_space<semaphore_mem>>) src(%dma_wait3A_149 : memref<10240x128xf32, #tpu.memory_space<hbm>>) dst(%arg7 : memref<80x128xf32, #tpu.memory_space<vmem>>)
    %dma_start3A_150 = arith.constant 1 : i32
    %dma_start3A_151 = arith.constant 0 : i32
    %dma_start3A_152 = tpu.memref_slice %arg5[%dma_start3A_150, %dma_start3A_151] : memref<2x80xi32, #tpu.memory_space<vmem>> -> memref<1x80xi32, #tpu.memory_space<vmem>>
    %dma_start3A_153 = tpu.memref_squeeze %dma_start3A_152 : memref<1x80xi32, #tpu.memory_space<vmem>> -> memref<80xi32, #tpu.memory_space<vmem>>
    %dma_start3A_154 = arith.constant 0 : i32
    %dma_start3A_155 = arith.constant 0 : i32
    %dma_start3A_156 = tpu.memref_slice %arg9[%dma_start3A_154, %dma_start3A_155] : memref<10240x128xf32, #tpu.memory_space<vmem_shared>> -> memref<10240x128xf32, #tpu.memory_space<vmem_shared>>
    tpu.enqueue_indirect_dma source(%arg7 : memref<80x128xf32, #tpu.memory_space<vmem>>) target(%dma_start3A_156 : memref<10240x128xf32, #tpu.memory_space<vmem_shared>>) offsets(%dma_start3A_153 : memref<80xi32, #tpu.memory_space<vmem>>) semaphore(%arg14 : memref<!tpu.dma_semaphore, #tpu.memory_space<semaphore_mem>>) {add = true}
    %dma_wait3A_157 = arith.constant 1 : i32
    %dma_wait3A_158 = arith.constant 0 : i32
    %dma_wait3A_159 = tpu.memref_slice %arg5[%dma_wait3A_157, %dma_wait3A_158] : memref<2x80xi32, #tpu.memory_space<vmem>> -> memref<1x80xi32, #tpu.memory_space<vmem>>
    %dma_wait3A_160 = tpu.memref_squeeze %dma_wait3A_159 : memref<1x80xi32, #tpu.memory_space<vmem>> -> memref<80xi32, #tpu.memory_space<vmem>>
    %dma_wait3A_161 = arith.constant 0 : i32
    %dma_wait3A_162 = arith.constant 0 : i32
    %dma_wait3A_163 = tpu.memref_slice %arg9[%dma_wait3A_161, %dma_wait3A_162] : memref<10240x128xf32, #tpu.memory_space<vmem_shared>> -> memref<10240x128xf32, #tpu.memory_space<vmem_shared>>
    tpu.wait_indirect_dma semaphore(%arg14 : memref<!tpu.dma_semaphore, #tpu.memory_space<semaphore_mem>>) src(%arg7 : memref<80x128xf32, #tpu.memory_space<vmem>>) dst(%dma_wait3A_163 : memref<10240x128xf32, #tpu.memory_space<vmem_shared>>)
    %barrier3A_164 = arith.constant 0 : index
    tpu.barrier barrier_id(%barrier3A_164)
    %mul3A_165 = arith.constant 640 : i32
    %mul3A_166 = arith.muli %arg1, %mul3A_165 : i32
    %mul3A_167 = arith.constant 640 : i32
    %mul3A_168 = arith.muli %arg1, %mul3A_167 : i32
    "tpu.region"() ({
      %run_scoped3A = tpu.sem_alloc : memref<!tpu.dma_semaphore, #tpu.memory_space<semaphore_mem>>
      %dma_start3A_169 = arith.constant 0 : i32
      %dma_start3A_170 = tpu.memref_slice %arg4[%arg0, %mul3A_168, %dma_start3A_169] : memref<2x10240x128xf32, #tpu.memory_space<hbm>> -> memref<1x640x128xf32, #tpu.memory_space<hbm>>
      %dma_start3A_171 = tpu.memref_squeeze %dma_start3A_170 : memref<1x640x128xf32, #tpu.memory_space<hbm>> -> memref<640x128xf32, #tpu.memory_space<hbm>>
      %dma_start3A_172 = arith.constant 0 : i32
      %dma_start3A_173 = tpu.memref_slice %arg9[%mul3A_166, %dma_start3A_172] : memref<10240x128xf32, #tpu.memory_space<vmem_shared>> -> memref<640x128xf32, #tpu.memory_space<vmem_shared>>
      tpu.enqueue_dma source(%dma_start3A_173 : memref<640x128xf32, #tpu.memory_space<vmem_shared>>) target(%dma_start3A_171 : memref<640x128xf32, #tpu.memory_space<hbm>>) target_semaphore(%run_scoped3A : memref<!tpu.dma_semaphore, #tpu.memory_space<semaphore_mem>>)
      %dma_wait3A_174 = arith.constant 0 : i32
      %dma_wait3A_175 = tpu.memref_slice %arg4[%arg0, %mul3A_168, %dma_wait3A_174] : memref<2x10240x128xf32, #tpu.memory_space<hbm>> -> memref<1x640x128xf32, #tpu.memory_space<hbm>>
      %dma_wait3A_176 = tpu.memref_squeeze %dma_wait3A_175 : memref<1x640x128xf32, #tpu.memory_space<hbm>> -> memref<640x128xf32, #tpu.memory_space<hbm>>
      %dma_wait3A_177 = arith.constant 0 : i32
      %dma_wait3A_178 = tpu.memref_slice %arg9[%mul3A_166, %dma_wait3A_177] : memref<10240x128xf32, #tpu.memory_space<vmem_shared>> -> memref<640x128xf32, #tpu.memory_space<vmem_shared>>
      tpu.wait_dma2 semaphore(%run_scoped3A : memref<!tpu.dma_semaphore, #tpu.memory_space<semaphore_mem>>) src(%dma_wait3A_178 : memref<640x128xf32, #tpu.memory_space<vmem_shared>>) dst(%dma_wait3A_176 : memref<640x128xf32, #tpu.memory_space<hbm>>)
      tpu.yield
    }) : () -> ()
    return
  }
}

module attributes {stable_mosaic.version = 14 : i64} {
  func.func @_prep_body(%arg0: i32, %arg1: memref<512x128xf32, #tpu.memory_space<vmem>>, %arg2: memref<32x512xf32, #tpu.memory_space<vmem>>, %arg3: memref<128x128xf32, #tpu.memory_space<vmem>>, %arg4: memref<512x128xf32, #tpu.memory_space<vmem>>) attributes {dimension_semantics = [#tpu.dimension_semantics<arbitrary>], iteration_bounds = array<i64: 20>, scalar_prefetch = 0 : i64, scratch_operands = 0 : i64, tpu.core_type = #tpu.core_type<tc>, window_params = [{transform_indices = @transform_0, window_bounds = array<i64: 512, 128>}, {transform_indices = @transform_1, window_bounds = array<i64: 32, 512>}, {pipeline_mode = #tpu.pipeline_mode<synchronous>, transform_indices = @transform_2, window_bounds = array<i64: 128, 128>}, {transform_indices = @transform_3, window_bounds = array<i64: 512, 128>}]} {
    %get3A = arith.constant 0 : index
    %get3A_0 = arith.constant 0 : index
    %get3A_1 = vector.load %arg2[%get3A, %get3A_0] : memref<32x512xf32, #tpu.memory_space<vmem>>, vector<32x512xf32>
    %reduce_sum3A = arith.constant dense<0.000000e+00> : vector<512xf32>
    %reduce_sum3A_2 = vector.multi_reduction <add>, %get3A_1, %reduce_sum3A [0] : vector<32x512xf32> to vector<512xf32>
    %add3A = arith.constant 1.000000e+00 : f32
    %add3A_3 = vector.broadcast %add3A : f32 to vector<512xf32>
    %add3A_4 = arith.addf %reduce_sum3A_2, %add3A_3 : vector<512xf32>
    %rsqrt3A = math.rsqrt %add3A_4 : vector<512xf32>
    %get3A_5 = arith.constant 0 : index
    %get3A_6 = arith.constant 0 : index
    %get3A_7 = vector.load %arg1[%get3A_5, %get3A_6] : memref<512x128xf32, #tpu.memory_space<vmem>>, vector<512x128xf32>
    %get3A_8 = arith.constant 0 : index
    %get3A_9 = arith.constant 0 : index
    %get3A_10 = vector.load %arg3[%get3A_8, %get3A_9] : memref<128x128xf32, #tpu.memory_space<vmem>>, vector<128x128xf32>
    %dot_general3A = arith.constant dense<0.000000e+00> : vector<512x128xf32>
    %dot_general3A_11 = tpu.matmul %get3A_7, %get3A_10, %dot_general3A {dimension_numbers = #tpu.dot_dimension_numbers<[1], [0], [0], [1], [0, 0, 1, 1], [], []>, transpose_lhs_hint = false} : vector<512x128xf32>, vector<128x128xf32>, vector<512x128xf32> -> vector<512x128xf32>
    %broadcast_in_dim3A = vector.shape_cast %rsqrt3A : vector<512xf32> to vector<512x1xf32>
    %mul3A = vector.broadcast %broadcast_in_dim3A : vector<512x1xf32> to vector<512x128xf32>
    %mul3A_12 = arith.mulf %dot_general3A_11, %mul3A : vector<512x128xf32>
    %swap3A = arith.constant 0 : index
    %swap3A_13 = arith.constant 0 : index
    %swap3A_14 = vector.load %arg4[%swap3A, %swap3A_13] : memref<512x128xf32, #tpu.memory_space<vmem>>, vector<512x128xf32>
    tpu.vector_store %arg4[%swap3A, %swap3A_13], %mul3A_12 {strides = array<i32>} : memref<512x128xf32, #tpu.memory_space<vmem>>, vector<512x128xf32>,
    return
  }
  func.func @transform_0(%arg0: i32) -> (i32, i32) {
    %c0_i32 = arith.constant 0 : i32
    %c0_i32_0 = arith.constant 0 : i32
    return %arg0, %c0_i32 : i32, i32
  }
  func.func @transform_1(%arg0: i32) -> (i32, i32) {
    %c0_i32 = arith.constant 0 : i32
    %c0_i32_0 = arith.constant 0 : i32
    return %c0_i32, %arg0 : i32, i32
  }
  func.func @transform_2(%arg0: i32) -> (i32, i32) {
    %c0_i32 = arith.constant 0 : i32
    %c0_i32_0 = arith.constant 0 : i32
    %c0_i32_1 = arith.constant 0 : i32
    return %c0_i32, %c0_i32_0 : i32, i32
  }
  func.func @transform_3(%arg0: i32) -> (i32, i32) {
    %c0_i32 = arith.constant 0 : i32
    %c0_i32_0 = arith.constant 0 : i32
    return %arg0, %c0_i32 : i32, i32
  }
}

module attributes {stable_mosaic.version = 14 : i64} {
  func.func @_mid_body(%arg0: i32, %arg1: memref<512x128xf32, #tpu.memory_space<vmem>>, %arg2: memref<512x128xf32, #tpu.memory_space<vmem>>, %arg3: memref<512x128xf32, #tpu.memory_space<vmem>>, %arg4: memref<32x512xf32, #tpu.memory_space<vmem>>, %arg5: memref<1x128xf32, #tpu.memory_space<vmem>>, %arg6: memref<128x128xf32, #tpu.memory_space<vmem>>, %arg7: memref<512x128xf32, #tpu.memory_space<vmem>>) attributes {dimension_semantics = [#tpu.dimension_semantics<arbitrary>], iteration_bounds = array<i64: 20>, scalar_prefetch = 0 : i64, scratch_operands = 0 : i64, tpu.core_type = #tpu.core_type<tc>, window_params = [{transform_indices = @transform_0, window_bounds = array<i64: 512, 128>}, {transform_indices = @transform_1, window_bounds = array<i64: 512, 128>}, {transform_indices = @transform_2, window_bounds = array<i64: 512, 128>}, {transform_indices = @transform_3, window_bounds = array<i64: 32, 512>}, {pipeline_mode = #tpu.pipeline_mode<synchronous>, transform_indices = @transform_4, window_bounds = array<i64: 1, 128>}, {pipeline_mode = #tpu.pipeline_mode<synchronous>, transform_indices = @transform_5, window_bounds = array<i64: 128, 128>}, {transform_indices = @transform_6, window_bounds = array<i64: 512, 128>}]} {
    %get3A = arith.constant 0 : index
    %get3A_0 = arith.constant 0 : index
    %get3A_1 = vector.load %arg4[%get3A, %get3A_0] : memref<32x512xf32, #tpu.memory_space<vmem>>, vector<32x512xf32>
    %reduce_sum3A = arith.constant dense<0.000000e+00> : vector<512xf32>
    %reduce_sum3A_2 = vector.multi_reduction <add>, %get3A_1, %reduce_sum3A [0] : vector<32x512xf32> to vector<512xf32>
    %add3A = arith.constant 1.000000e+00 : f32
    %add3A_3 = vector.broadcast %add3A : f32 to vector<512xf32>
    %add3A_4 = arith.addf %reduce_sum3A_2, %add3A_3 : vector<512xf32>
    %rsqrt3A = math.rsqrt %add3A_4 : vector<512xf32>
    %get3A_5 = arith.constant 0 : index
    %get3A_6 = arith.constant 0 : index
    %get3A_7 = vector.load %arg3[%get3A_5, %get3A_6] : memref<512x128xf32, #tpu.memory_space<vmem>>, vector<512x128xf32>
    %get3A_8 = arith.constant 0 : index
    %get3A_9 = arith.constant 0 : index
    %get3A_10 = vector.load %arg1[%get3A_8, %get3A_9] : memref<512x128xf32, #tpu.memory_space<vmem>>, vector<512x128xf32>
    %get3A_11 = arith.constant 0 : index
    %get3A_12 = arith.constant 0 : index
    %get3A_13 = vector.load %arg2[%get3A_11, %get3A_12] : memref<512x128xf32, #tpu.memory_space<vmem>>, vector<512x128xf32>
    %add3A_14 = arith.addf %get3A_10, %get3A_13 : vector<512x128xf32>
    %add3A_15 = arith.addf %add3A_14, %get3A_7 : vector<512x128xf32>
    %broadcast_in_dim3A = vector.shape_cast %rsqrt3A : vector<512xf32> to vector<512x1xf32>
    %mul3A = vector.broadcast %broadcast_in_dim3A : vector<512x1xf32> to vector<512x128xf32>
    %mul3A_16 = arith.mulf %add3A_15, %mul3A : vector<512x128xf32>
    %get3A_17 = arith.constant 0 : index
    %get3A_18 = arith.constant 0 : index
    %get3A_19 = vector.load %arg5[%get3A_17, %get3A_18] : memref<1x128xf32, #tpu.memory_space<vmem>>, vector<1x128xf32>
    %add3A_20 = vector.broadcast %get3A_19 : vector<1x128xf32> to vector<512x128xf32>
    %add3A_21 = arith.addf %mul3A_16, %add3A_20 : vector<512x128xf32>
    %get3A_22 = arith.constant 0 : index
    %get3A_23 = arith.constant 0 : index
    %get3A_24 = vector.load %arg6[%get3A_22, %get3A_23] : memref<128x128xf32, #tpu.memory_space<vmem>>, vector<128x128xf32>
    %dot_general3A = arith.constant dense<0.000000e+00> : vector<512x128xf32>
    %dot_general3A_25 = tpu.matmul %add3A_21, %get3A_24, %dot_general3A {dimension_numbers = #tpu.dot_dimension_numbers<[1], [0], [0], [1], [0, 0, 1, 1], [], []>, transpose_lhs_hint = false} : vector<512x128xf32>, vector<128x128xf32>, vector<512x128xf32> -> vector<512x128xf32>
    %broadcast_in_dim3A_26 = vector.shape_cast %rsqrt3A : vector<512xf32> to vector<512x1xf32>
    %mul3A_27 = vector.broadcast %broadcast_in_dim3A_26 : vector<512x1xf32> to vector<512x128xf32>
    %mul3A_28 = arith.mulf %dot_general3A_25, %mul3A_27 : vector<512x128xf32>
    %swap3A = arith.constant 0 : index
    %swap3A_29 = arith.constant 0 : index
    %swap3A_30 = vector.load %arg7[%swap3A, %swap3A_29] : memref<512x128xf32, #tpu.memory_space<vmem>>, vector<512x128xf32>
    tpu.vector_store %arg7[%swap3A, %swap3A_29], %mul3A_28 {strides = array<i32>} : memref<512x128xf32, #tpu.memory_space<vmem>>, vector<512x128xf32>,
    return
  }
  func.func @transform_0(%arg0: i32) -> (i32, i32) {
    %c0_i32 = arith.constant 0 : i32
    %c0_i32_0 = arith.constant 0 : i32
    return %arg0, %c0_i32 : i32, i32
  }
  func.func @transform_1(%arg0: i32) -> (i32, i32) {
    %c0_i32 = arith.constant 0 : i32
    %c0_i32_0 = arith.constant 0 : i32
    return %arg0, %c0_i32 : i32, i32
  }
  func.func @transform_2(%arg0: i32) -> (i32, i32) {
    %c0_i32 = arith.constant 0 : i32
    %c0_i32_0 = arith.constant 0 : i32
    return %arg0, %c0_i32 : i32, i32
  }
  func.func @transform_3(%arg0: i32) -> (i32, i32) {
    %c0_i32 = arith.constant 0 : i32
    %c0_i32_0 = arith.constant 0 : i32
    return %c0_i32, %arg0 : i32, i32
  }
  func.func @transform_4(%arg0: i32) -> (i32, i32) {
    %c0_i32 = arith.constant 0 : i32
    %c0_i32_0 = arith.constant 0 : i32
    %c0_i32_1 = arith.constant 0 : i32
    return %c0_i32, %c0_i32_0 : i32, i32
  }
  func.func @transform_5(%arg0: i32) -> (i32, i32) {
    %c0_i32 = arith.constant 0 : i32
    %c0_i32_0 = arith.constant 0 : i32
    %c0_i32_1 = arith.constant 0 : i32
    return %c0_i32, %c0_i32_0 : i32, i32
  }
  func.func @transform_6(%arg0: i32) -> (i32, i32) {
    %c0_i32 = arith.constant 0 : i32
    %c0_i32_0 = arith.constant 0 : i32
    return %arg0, %c0_i32 : i32, i32
  }
}

module attributes {stable_mosaic.version = 14 : i64} {
  func.func @_fin_body(%arg0: i32, %arg1: memref<512x128xf32, #tpu.memory_space<vmem>>, %arg2: memref<512x128xf32, #tpu.memory_space<vmem>>, %arg3: memref<512x128xf32, #tpu.memory_space<vmem>>, %arg4: memref<32x512xf32, #tpu.memory_space<vmem>>, %arg5: memref<1x128xf32, #tpu.memory_space<vmem>>, %arg6: memref<512x128xf32, #tpu.memory_space<vmem>>) attributes {dimension_semantics = [#tpu.dimension_semantics<arbitrary>], iteration_bounds = array<i64: 20>, scalar_prefetch = 0 : i64, scratch_operands = 0 : i64, tpu.core_type = #tpu.core_type<tc>, window_params = [{transform_indices = @transform_0, window_bounds = array<i64: 512, 128>}, {transform_indices = @transform_1, window_bounds = array<i64: 512, 128>}, {transform_indices = @transform_2, window_bounds = array<i64: 512, 128>}, {transform_indices = @transform_3, window_bounds = array<i64: 32, 512>}, {pipeline_mode = #tpu.pipeline_mode<synchronous>, transform_indices = @transform_4, window_bounds = array<i64: 1, 128>}, {transform_indices = @transform_5, window_bounds = array<i64: 512, 128>}]} {
    %get3A = arith.constant 0 : index
    %get3A_0 = arith.constant 0 : index
    %get3A_1 = vector.load %arg4[%get3A, %get3A_0] : memref<32x512xf32, #tpu.memory_space<vmem>>, vector<32x512xf32>
    %reduce_sum3A = arith.constant dense<0.000000e+00> : vector<512xf32>
    %reduce_sum3A_2 = vector.multi_reduction <add>, %get3A_1, %reduce_sum3A [0] : vector<32x512xf32> to vector<512xf32>
    %add3A = arith.constant 1.000000e+00 : f32
    %add3A_3 = vector.broadcast %add3A : f32 to vector<512xf32>
    %add3A_4 = arith.addf %reduce_sum3A_2, %add3A_3 : vector<512xf32>
    %rsqrt3A = math.rsqrt %add3A_4 : vector<512xf32>
    %get3A_5 = arith.constant 0 : index
    %get3A_6 = arith.constant 0 : index
    %get3A_7 = vector.load %arg3[%get3A_5, %get3A_6] : memref<512x128xf32, #tpu.memory_space<vmem>>, vector<512x128xf32>
    %get3A_8 = arith.constant 0 : index
    %get3A_9 = arith.constant 0 : index
    %get3A_10 = vector.load %arg1[%get3A_8, %get3A_9] : memref<512x128xf32, #tpu.memory_space<vmem>>, vector<512x128xf32>
    %get3A_11 = arith.constant 0 : index
    %get3A_12 = arith.constant 0 : index
    %get3A_13 = vector.load %arg2[%get3A_11, %get3A_12] : memref<512x128xf32, #tpu.memory_space<vmem>>, vector<512x128xf32>
    %add3A_14 = arith.addf %get3A_10, %get3A_13 : vector<512x128xf32>
    %add3A_15 = arith.addf %add3A_14, %get3A_7 : vector<512x128xf32>
    %broadcast_in_dim3A = vector.shape_cast %rsqrt3A : vector<512xf32> to vector<512x1xf32>
    %mul3A = vector.broadcast %broadcast_in_dim3A : vector<512x1xf32> to vector<512x128xf32>
    %mul3A_16 = arith.mulf %add3A_15, %mul3A : vector<512x128xf32>
    %get3A_17 = arith.constant 0 : index
    %get3A_18 = arith.constant 0 : index
    %get3A_19 = vector.load %arg5[%get3A_17, %get3A_18] : memref<1x128xf32, #tpu.memory_space<vmem>>, vector<1x128xf32>
    %add3A_20 = vector.broadcast %get3A_19 : vector<1x128xf32> to vector<512x128xf32>
    %add3A_21 = arith.addf %mul3A_16, %add3A_20 : vector<512x128xf32>
    %tanh3A = math.tanh %add3A_21 : vector<512x128xf32>
    %swap3A = arith.constant 0 : index
    %swap3A_22 = arith.constant 0 : index
    %swap3A_23 = vector.load %arg6[%swap3A, %swap3A_22] : memref<512x128xf32, #tpu.memory_space<vmem>>, vector<512x128xf32>
    tpu.vector_store %arg6[%swap3A, %swap3A_22], %tanh3A {strides = array<i32>} : memref<512x128xf32, #tpu.memory_space<vmem>>, vector<512x128xf32>,
    return
  }
  func.func @transform_0(%arg0: i32) -> (i32, i32) {
    %c0_i32 = arith.constant 0 : i32
    %c0_i32_0 = arith.constant 0 : i32
    return %arg0, %c0_i32 : i32, i32
  }
  func.func @transform_1(%arg0: i32) -> (i32, i32) {
    %c0_i32 = arith.constant 0 : i32
    %c0_i32_0 = arith.constant 0 : i32
    return %arg0, %c0_i32 : i32, i32
  }
  func.func @transform_2(%arg0: i32) -> (i32, i32) {
    %c0_i32 = arith.constant 0 : i32
    %c0_i32_0 = arith.constant 0 : i32
    return %arg0, %c0_i32 : i32, i32
  }
  func.func @transform_3(%arg0: i32) -> (i32, i32) {
    %c0_i32 = arith.constant 0 : i32
    %c0_i32_0 = arith.constant 0 : i32
    return %c0_i32, %arg0 : i32, i32
  }
  func.func @transform_4(%arg0: i32) -> (i32, i32) {
    %c0_i32 = arith.constant 0 : i32
    %c0_i32_0 = arith.constant 0 : i32
    %c0_i32_1 = arith.constant 0 : i32
    return %c0_i32, %c0_i32_0 : i32, i32
  }
  func.func @transform_5(%arg0: i32) -> (i32, i32) {
    %c0_i32 = arith.constant 0 : i32
    %c0_i32_0 = arith.constant 0 : i32
    return %arg0, %c0_i32 : i32, i32
  }
}

</mosaic_0001>

<sc_bundles>
// kernel: _run.11.cloned.1.call-start
scs
__scs_entry_jumppad:
0x0: {  	(pc) =	sbr.rel $0x88, $3  }
0x1: {  	(tag) =	ssettag $0x0;
	lr =	simm.s32 $0x1  }
0x2: {  	[smem:$0x3F9B] =	sst lr;
	_ =	strace $0xD0000000  }
0x3: {  	_ = 	snop  }
0x4: {  	_ = 	snop  }
0x5: {  	_ = 	snop  }
0x6: {  	_ = 	snop  }
0x7: {  	_ = 	snop  }
__scs_overlays_trampoline_lowered:
0x8: {  	[smem:$0x3FAA] =	sst s0  }
0x9: {  	[smem:$0x3FAB] =	sst s1  }
0xa: {  	[smem:$0x3FAC] =	sst s2  }
0xb: {  	[smem:$0x3FAD] =	sst s3  }
0xc: {  	[smem:$0x3FAE] =	sst s4  }
0xd: {  	[smem:$0x3FAF] =	sst s5  }
0xe: {  	[smem:$0x3FB0] =	sst s6  }
0xf: {  	[smem:$0x3FB1] =	sst s7  }
0x10: {  	[smem:$0x3FB2] =	sst s8  }
0x11: {  	[smem:$0x3FB3] =	sst s9;
	s0 =	simm.s32 @!p0 $0x0  }
0x12: {  	s1 =	sld [smem:$0x3F99];
	s0 =	simm.s32 @p0 $0x1  }
0x13: {  	[smem:$0x3FB4] =	sst s0;
	s0 =	simm.s32 @!p1 $0x0  }
0x14: {  	s2 =	sld [smem:$0x3F98];
	s0 =	simm.s32 @p1 $0x1  }
0x15: {  	[smem:$0x3FB5] =	sst s0;
	s0 =	simm.s32 @!p2 $0x0  }
0x16: {  	s3 =	sld [smem:$0x3FDB];
	s0 =	simm.s32 @p2 $0x1  }
0x17: {  	s4 =	simm.s32 $0x1BF5;
	[smem:$0x3FB7] =	sst s0  }
0x18: {  	s0 =	sld [smem:$0x3F9A];
	_ =	swait.ge [sflag:s4], $0x0  }
0x19: {  	s7 =	sld [smem:$0x3F9B]  }
0x1a: {  	s8 =	sadd.s32 $0xFFFFE003, lr  }
0x1b: {  	s9 =	sadd.s32 $0xFFFFFEF7, lr;
	s5 =	simm.s32 $0xFFFFFFFF;
	p2 =	slt.u32 s8, $0xFFFFF086  }
0x1c: {  	p1 =	slt.u32 s9, $0xF7A;
	s5 =	simm.s32 @!p2 $0x0  }
0x1d: {  	s5 =	simm.s32 @p1 $0x1;
	p0 =	seq.s32 s7, s2  }
0x1e: {  	s7 =	smul.u32 @!p0 $0xF7A, s2;
	p2 =	seq.s32 @!p0 s5, $0x0  }
0x1f: {  	s9 =	smul.u32 $0xF7A, s1;
	s8 =	simm.s32 @!p0 $0x1BF5;
	p2 =	por !p2, p0  }
0x20: {  	[sflag:s8] =	ssyncset.s32 @!p0 $0xFFFFF086;
	s6 =	sadd.s32 @!p0 s3, s7;
	s7 =	simm.s32 @!p0 $0x108  }
0x21: {  	s3 =	sadd.s32 s3, s9;
	s6 =	sadd.s32 @!p0 $0x88, s6;
	s7 =	simm.s32 @p2 $0x1082  }
0x22: {  	[simem:s7], [sflag:s8] =	dma.local @!p0 [hbm:s6], $0xF7A  }
0x23: {  	s9 =	sor.u32 $0xD0000000, s2;
	s6 =	simm.s32 $0x108;
	_ =	swait.ge @!p0 [sflag:s8], $0x0  }
0x24: {  	s3 =	sadd.s32 $0x88, s3;
	s6 =	simm.s32 @!p1 $0x1082;
	[sflag:s4] =	ssyncset.s32 $0xFFFFF086  }
0x25: {  	[simem:s6], [sflag:s4] =	dma.local [hbm:s3], $0xF7A  }
0x26: {  	[smem:$0x3F9B] =	sst s1;
	(tag) =	ssettag s2;
	_ =	strace s9  }
0x27: {  	s1 =	sld [smem:$0x3FAB]  }
0x28: {  	s2 =	sld [smem:$0x3FAC]  }
0x29: {  	s4 =	sld [smem:$0x3FAE]  }
0x2a: {  	p0 =	seq.s32 s5, $0x0;
	s5 =	sld [smem:$0x3FAF]  }
0x2b: {  	s6 =	sld [smem:$0x3FB0]  }
0x2c: {  	s7 =	sld [smem:$0x3FB1]  }
0x2d: {  	s3 =	simm.s32 $0x108;
	s8 =	sld [smem:$0x3FB2]  }
0x2e: {  	s3 =	simm.s32 @!p0 $0x1082;
	s9 =	sld [smem:$0x3FB3]  }
0x2f: {  	lr =	sadd.s32 s0, s3;
	s0 =	sld [smem:$0x3FAA]  }
0x30: {  	s3 =	sld [smem:$0x3FAD]  }
0x31: {  	[smem:$0x3FB6] =	sst s10  }
0x32: {  	s10 =	sld [smem:$0x3FB4];
	_ =	sdelay $0x3  }
0x33: {  	p0 =	seq.s32 s10, $0x1;
	s10 =	sld [smem:$0x3FB6];
	_ =	sdelay $0x3  }
0x34: {  	[smem:$0x3FB6] =	sst s10  }
0x35: {  	s10 =	sld [smem:$0x3FB5];
	_ =	sdelay $0x3  }
0x36: {  	p1 =	seq.s32 s10, $0x1;
	s10 =	sld [smem:$0x3FB6];
	_ =	sdelay $0x3  }
0x37: {  	[smem:$0x3FB6] =	sst s10  }
0x38: {  	s10 =	sld [smem:$0x3FB7]  }
0x39: {  	_ = 	snop;
	(pc) =	sbr.ind lr, $3  }
0x3a: {  	_ = 	snop  }
0x3b: {  	_ = 	snop  }
0x3c: {  	p2 =	seq.s32 s10, $0x1;
	s10 =	sld [smem:$0x3FB6]  }
0x3d: {  	_ =	shalt  }
0x3e: {  	_ =	shalt  }
0x3f: {  	_ =	shalt  }
0x40: {  	_ =	shalt  }
0x41: {  	_ =	shalt  }
0x42: {  	_ =	shalt  }
0x43: {  	_ =	shalt  }
0x44: {  	_ =	shalt  }
0x45: {  	_ =	shalt  }
0x46: {  	_ =	shalt  }
0x47: {  	_ =	shalt  }
0x48: {  	_ =	shalt  }
0x49: {  	_ =	shalt  }
0x4a: {  	_ =	shalt  }
0x4b: {  	_ =	shalt  }
0x4c: {  	_ =	shalt  }
0x4d: {  	_ =	shalt  }
0x4e: {  	_ =	shalt  }
0x4f: {  	_ =	shalt  }
0x50: {  	_ =	shalt  }
0x51: {  	_ =	shalt  }
0x52: {  	_ =	shalt  }
0x53: {  	_ =	shalt  }
0x54: {  	_ =	shalt  }
0x55: {  	_ =	shalt  }
0x56: {  	_ =	shalt  }
0x57: {  	_ =	shalt  }
0x58: {  	_ =	shalt  }
0x59: {  	_ =	shalt  }
0x5a: {  	_ =	shalt  }
0x5b: {  	_ =	shalt  }
0x5c: {  	_ =	shalt  }
0x5d: {  	_ =	shalt  }
0x5e: {  	_ =	shalt  }
0x5f: {  	_ =	shalt  }
0x60: {  	_ =	shalt  }
0x61: {  	_ =	shalt  }
0x62: {  	_ =	shalt  }
0x63: {  	_ =	shalt  }
0x64: {  	_ =	shalt  }
0x65: {  	_ =	shalt  }
0x66: {  	_ =	shalt  }
0x67: {  	_ =	shalt  }
0x68: {  	_ =	shalt  }
0x69: {  	_ =	shalt  }
0x6a: {  	_ =	shalt  }
0x6b: {  	_ =	shalt  }
0x6c: {  	_ =	shalt  }
0x6d: {  	_ =	shalt  }
0x6e: {  	_ =	shalt  }
0x6f: {  	_ =	shalt  }
0x70: {  	_ =	shalt  }
0x71: {  	_ =	shalt  }
0x72: {  	_ =	shalt  }
0x73: {  	_ =	shalt  }
0x74: {  	_ =	shalt  }
0x75: {  	_ =	shalt  }
0x76: {  	_ =	shalt  }
0x77: {  	_ =	shalt  }
0x78: {  	_ =	shalt  }
0x79: {  	_ =	shalt  }
0x7a: {  	_ =	shalt  }
0x7b: {  	_ =	shalt  }
0x7c: {  	_ =	shalt  }
0x7d: {  	_ =	shalt  }
0x7e: {  	_ =	shalt  }
0x7f: {  	_ =	shalt  }
0x80: {  	_ =	shalt  }
0x81: {  	_ =	shalt  }
0x82: {  	_ =	shalt  }
0x83: {  	_ =	shalt  }
0x84: {  	_ =	shalt  }
0x85: {  	_ =	shalt  }
0x86: {  	_ =	shalt  }
0x87: {  	_ =	shalt  }
.Lfunc_end0:
.L_simem_size_0:
called_computation.1_lowered:
.L_overlay_start_0:
0x88: {  	s2 =	sld [smem:$0x3FD9]  }
0x89: {  	s3 =	sld [smem:$0x3FFE];
	_ =	sdelay $0x1  }
0x8a: {  	s1 =	srdreg.scid  }
0x8b: {  	s0 =	sand.u32 $0x1, s1  }
0x8c: {  	s17 =	sshll.u32 s0, $0xA;
	s2 =	sadd.s32 s3, s2  }
0x8d: {  	s2 =	sadd.s32 s2, s17  }
0x8e: {  	[smem:$0x3FC2] =	sst s2  }
0x8f: {  	_ = 	snop  }
0x90: {  	s2 =	sld [smem:$0x3FD0];
	(tm) =	ssettm $0x1  }
0x91: {  	s18 =	sld [smem:$0x3FFB];
	_ =	sdelay $0x3  }
0x92: {  	_ =	strace s18  }
0x93: {  	s3 =	sld [smem:$0x3FFC];
	_ =	sdelay $0x3  }
0x94: {  	_ =	strace s3  }
0x95: {  	s3 =	sld [smem:$0x3FFD];
	_ =	sdelay $0x3  }
0x96: {  	_ =	strace s3  }
0x97: {  	_ =	strace $0x8FFFFFFF  }
0x98: {  	s19 =	sld [smem:$0x3FDB];
	_ =	sdelay $0x1  }
0x99: {  	s4 =	simm.s32 $_scs_section_size  }
0x9a: {  	s5 =	simm.s32 $_size__tile_overlayer_lowered;
	s6 =	simm.s32 $_tile_overlayer_lowered  }
0x9b: {  	s22 =	simm.s32 $0x1BFF;
	s21 =	sshll.u32 s6, $0x1;
	s3 =	sadd.s32 s4, s19  }
0x9c: {  	s7 =	simm.s32 $0x0;
	s20 =	sshll.u32 s5, $0x1;
	s5 =	sadd.s32 s21, s3  }
0x9d: {  	[timem:s7], [sflag:s22] =	dma.local [hbm:s5], s20  }
0x9e: {  	_ =	swait.ge [sflag:s22], s20  }
0x9f: {  	s4 =	ssub.s32 $0x0, s20;
	[sflag:s22] =	ssyncset.done $0x0  }
0xa0: {  	[sflag:s22] =	ssyncadd.s32 s4;
	_ =	sdelay $0x1  }
0xa1: {  	s23 =	simm.s32 $0x1B8B  }
0xa2: {  	_ =	swait.ge [sflag:s23], $0x1  }
0xa3: {  	[sflag:s23] =	ssyncset.done $0x0  }
0xa4: {  	s25 =	simm.s32 $0x1B8E;
	s24 =	sld [smem:$0x3FFE];
	[sflag:s23] =	ssyncadd.s32 $0xFFFFFFFF  }
0xa5: {  	s26 =	simm.s32 $execute0_lowered;
	[smem:$0x3FD2] =	sst s25  }
0xa6: {  	s5 =	sshll.u32 s26, $0x1;
	_ =	strace $0x80000049;
	[dreg:$0x1] =	wrdreg $0xFFFFFFFF  }
0xa7: {  	s28 =	simm.s32 $_size_execute0_lowered;
	s3 =	sadd.s32 s3, s5;
	[dreg:$0x0] =	wrdreg $0x0  }
0xa8: {  	s5 =	sshll.u32 s28, $0x1;
	[dreg:$0x2] =	wrdreg s3  }
0xa9: {  	[dreg:$0x3] =	wrdreg s5  }
0xaa: {  	[dreg:$0x4] =	wrdreg $0xC0  }
0xab: {  	_ =	task [dreg:s7], $0x5FFFF  }
0xac: {  	[dreg:$0x1] =	wrdreg $0xFFFFFFFF  }
0xad: {  	[dreg:$0x0] =	wrdreg $0x60  }
0xae: {  	[dreg:$0x2] =	wrdreg s24  }
0xaf: {  	[dreg:$0x3] =	wrdreg s2  }
0xb0: {  	[dreg:$0x4] =	wrdreg $0x52000  }
0xb1: {  	[dreg:$0x5] =	wrdreg $0x9  }
0xb2: {  	_ =	task.clear_ibuf [dreg:s7], $0x6FFFF;
	_ =	strace $0x90000049  }
0xb3: {  	s29 =	simm.s32 $0x9;
	_ =	strace $0x8000004B  }
0xb4: {  	_ =	swait.ge [sflag:s29], $0x1  }
0xb5: {  	[sflag:s29] =	ssyncadd.s32 $0xFFFFFFFF  }
0xb6: {  	_ =	strace $0x9000004B  }
0xb7: {  	_ =	sfence  }
0xb8: {  	s30 =	sld [smem:$0x0];
	_ =	sdelay $0x2  }
0xb9: {  	s31 =	sshll.u32 s1, $0xD;
	s1 =	sshrl.u32 s1, $0x2  }
0xba: {  	s3 =	sand.u32 $0x4000, s31;
	s1 =	sadd.s32 s1, s30  }
0xbb: {  	s0 =	sor.u32 s3, s0;
	s1 =	sshll.u32 s1, $0x11  }
0xbc: {  	s0 =	sor.u32 s1, s0  }
0xbd: {  	s0 =	sadd.s32 $0x8F2B, s0  }
0xbe: {  	[sflag:s0] =	ssyncadd.remote.s32 $0x1  }
0xbf: {  	_ =	sfence.sel $0xFFFF  }
0xc0: {  	[dreg:$0x0] =	wrdreg $0xFFFFFFFF;
	(pc) =	sbr.abs _section_cstart, $3  }
0xc1: {  	[dreg:$0x1] =	wrdreg $0xFFFFFFFF  }
0xc2: {  	_ =	task.clear_ibuf [dreg:s7], $0x2FFFF;
	_ =	strace $0x9FFFFFFF  }
0xc3: {  	(tm) =	ssettm $0x7FFFFFFF  }
tec
execute0_lowered:
.L_overlay_start_1:
0x0: {  	(tag) =	ssettag $0x1  }
0x1: {  	s0 =	rddreg [dreg:$0x0]  }
0x2: {  	s1 =	rddreg [dreg:$0x1]  }
0x3: {  	s2 =	rddreg [dreg:$0x2];
	s11 =	stileid.u32  }
0x4: {  	s3 =	srdreg.scid;
	s4 =	simm.s32 $0x0;
	s6 =	smul.u32 $0x14000, s11  }
0x5: {  	s28 =	simm.s32 $0x2A00;
	s29 =	simm.s32 $0x3;
	s10 =	smul.u32 $0x50000, s11  }
0x6: {  	s30 =	simm.s32 $0x80;
	s3 =	sand.u32 $0x1, s3;
	s19 =	smul.u32 $0xFA00, s11  }
0x7: {  	[smem:$0x7FF] =	sst s4;
	s7 =	sshll.u32 s11, $0x1;
	s5 =	smul.u32 $0x140000, s3  }
0x8: {  	s7 =	sor.u32 s3, s7;
	s12 =	ssub.s32 $0x2, s3;
	s3 =	smul.u32 $0x7D00, s3  }
0x9: {  	s31 =	simm.s32 $0x5;
	_ =	strace $0x8000004A;
	s7 =	smul.u32 $0x7D00, s7  }
0xa: {  	s9 =	sshrl.u32 s12, $0x1;
	s18 =	sshrl.u32 s10, $0x2;
	s5 =	sadd.s32 s6, s5  }
0xb: {  	s13 =	ssub.s32 s12, s9;
	s3 =	sadd.s32 s3, s19;
	s8 =	sshrl.u32 s5, $0x3  }
0xc: {  	s5 =	sadd.s32 $0x2800, s0;
	s17 =	sshrl.u32 s7, $0x3;
	s7 =	sadd.s32 s18, s2  }
0xd: {  	s26 =	sadd.s32 $0x300, s3;
	s18 =	smax.u32 s13, $0x1;
	s0 =	sadd.s32 s8, s0  }
0xe: {  	s6 =	sadd.s32 s1, s17;
	s21 =	sadd.s32 $0x2800, s7;
	s22 =	sadd.s32 $0x5000, s7  }
0xf: {  	s23 =	sadd.s32 $0x7800, s7;
	s24 =	sadd.s32 $0xA000, s7;
	[dreg:$0x5] =	wrdreg s21  }
0x10: {  	s25 =	sadd.s32 $0xC800, s7;
	s14 =	sadd.s32 $0xF000, s7;
	[dreg:$0x6] =	wrdreg s22  }
0x11: {  	s15 =	sadd.s32 $0x11800, s7;
	s9 =	sshrl.u32 s26, $0x3;
	[dreg:$0x7] =	wrdreg s23  }
0x12: {  	s26 =	simm.s32 $0x2;
	s8 =	simm.s32 $0x6;
	[dreg:$0x8] =	wrdreg s24  }
0x13: {  	s20 =	sadd.s32 $0x20, s6;
	[dreg:$0x9] =	wrdreg s25;
	s16 =	sadd.s32 $0xF80, s6  }
0x14: {  	s17 =	sadd.s32 $0x2A800, s0;
	s19 =	sadd.s32 s9, s1;
	s21 =	simm.s32 $0x100  }
0x15: {  	s22 =	simm.s32 $0x200;
	s23 =	simm.s32 $0x7;
	s24 =	simm.s32 $0x1  }
0x16: {  	s25 =	simm.s32 $0x50;
	s0 =	simm.s32 $0x4;
	s9 =	simm.s32 $0x0  }
0x17: {  	v0 =	vimm.f32 $0.0e+00;
	[dreg:$0x4] =	wrdreg s20;
	s20 =	sadd.s32 $0x200, s3;
	s3 =	simm.s32 $0x180  }
.LBB2_1:
0x18: {  	[tilespmem:s4], [sflag:$0x1] =	stream.linear.gather [hbm4b:s6+s4], $0x100, $0x38;
	[tilespmem:$0x19200] =	vst v63  }
0x19: {  	s10 =	rddreg [dreg:$0x4]  }
0x1a: {  	[tilespmem:s21], [sflag:$0x2] =	stream.linear.gather [hbm4b:s10+s4], $0x100, $0x38;
	[tilespmem:$0x19200] =	vst v63  }
0x1b: {  	s11 =	simm.s32 $0x200;
	s10 =	simm.s32 $0x0  }
.LBB2_2:
0x1c: {  	p0 =	sne.s32 s11, $0x9E00;
	[tilespmem:s10+$0x270] =	vst v0  }
0x1d: {  	[tilespmem:s10+$0x200] =	vst v0  }
0x1e: {  	[tilespmem:s10+$0x210] =	vst v0  }
.Ltmp0:
0x1f: {  	[tilespmem:s10+$0x220] =	vst v0;
	(pc) =	sbr.rel @p0 .LBB2_2-.Ltmp0, $4  }
0x20: {  	[tilespmem:s10+$0x230] =	vst v0  }
0x21: {  	[tilespmem:s10+$0x240] =	vst v0  }
0x22: {  	[tilespmem:s10+$0x250] =	vst v0  }
0x23: {  	[tilespmem:s10+$0x260] =	vst v0;
	s10 =	sshra.s32 s11, $0x2;
	s11 =	sadd.s32 $0x200, s11  }
0x24: {  	[tilespmem:s10+$0x270] =	vst v0  }
0x25: {  	[tilespmem:s10+$0x200] =	vst v0  }
0x26: {  	[tilespmem:s10+$0x210] =	vst v0  }
0x27: {  	[tilespmem:s10+$0x220] =	vst v0  }
0x28: {  	[tilespmem:s10+$0x230] =	vst v0  }
0x29: {  	[tilespmem:s10+$0x240] =	vst v0  }
0x2a: {  	[tilespmem:s10+$0x250] =	vst v0  }
0x2b: {  	[tilespmem:s10+$0x260] =	vst v0  }
0x2c: {  	[spmem:s7] =	stream.linear.scatter [tilespmem:s22], [sflag:$0x7], $0x2800, $0x38;
	[tilespmem:$0x19200] =	vst v63  }
0x2d: {  	_ =	swait.ge [sflag:s23], $0x2800  }
0x2e: {  	[sflag:s23] =	ssyncset.done $0x0  }
0x2f: {  	s12 =	rddreg [dreg:$0x5];
	[sflag:s23] =	ssyncadd.s32 $0xFFFFD800  }
0x30: {  	[spmem:s12] =	stream.linear.scatter [tilespmem:s22], [sflag:$0x7], $0x2800, $0x38;
	[tilespmem:$0x19200] =	vst v63  }
0x31: {  	_ =	swait.ge [sflag:s23], $0x2800  }
0x32: {  	[sflag:s23] =	ssyncset.done $0x0  }
0x33: {  	s13 =	rddreg [dreg:$0x6];
	[sflag:s23] =	ssyncadd.s32 $0xFFFFD800  }
0x34: {  	[spmem:s13] =	stream.linear.scatter [tilespmem:s22], [sflag:$0x7], $0x2800, $0x38;
	[tilespmem:$0x19200] =	vst v63  }
0x35: {  	_ =	swait.ge [sflag:s23], $0x2800  }
0x36: {  	[sflag:s23] =	ssyncset.done $0x0  }
0x37: {  	s11 =	rddreg [dreg:$0x7];
	[sflag:s23] =	ssyncadd.s32 $0xFFFFD800  }
0x38: {  	[spmem:s11] =	stream.linear.scatter [tilespmem:s22], [sflag:$0x7], $0x2800, $0x38;
	[tilespmem:$0x19200] =	vst v63  }
0x39: {  	_ =	swait.ge [sflag:s23], $0x2800  }
0x3a: {  	[sflag:s23] =	ssyncset.done $0x0  }
0x3b: {  	s12 =	rddreg [dreg:$0x8];
	[sflag:s23] =	ssyncadd.s32 $0xFFFFD800  }
0x3c: {  	[spmem:s12] =	stream.linear.scatter [tilespmem:s22], [sflag:$0x7], $0x2800, $0x38;
	[tilespmem:$0x19200] =	vst v63  }
0x3d: {  	_ =	swait.ge [sflag:s23], $0x2800  }
0x3e: {  	[sflag:s23] =	ssyncset.done $0x0  }
0x3f: {  	s13 =	rddreg [dreg:$0x9];
	[sflag:s23] =	ssyncadd.s32 $0xFFFFD800  }
0x40: {  	[spmem:s13] =	stream.linear.scatter [tilespmem:s22], [sflag:$0x7], $0x2800, $0x38;
	[tilespmem:$0x19200] =	vst v63  }
0x41: {  	_ =	swait.ge [sflag:s23], $0x2800  }
0x42: {  	[sflag:s23] =	ssyncset.done $0x0  }
0x43: {  	[sflag:s23] =	ssyncadd.s32 $0xFFFFD800  }
0x44: {  	[spmem:s14] =	stream.linear.scatter [tilespmem:s22], [sflag:$0x7], $0x2800, $0x38;
	[tilespmem:$0x19200] =	vst v63  }
0x45: {  	_ =	swait.ge [sflag:s23], $0x2800  }
0x46: {  	[sflag:s23] =	ssyncset.done $0x0  }
0x47: {  	[sflag:s23] =	ssyncadd.s32 $0xFFFFD800  }
0x48: {  	[spmem:s15] =	stream.linear.scatter [tilespmem:s22], [sflag:$0x7], $0x2800, $0x38;
	[tilespmem:$0x19200] =	vst v63  }
0x49: {  	_ =	swait.ge [sflag:s23], $0x2800  }
0x4a: {  	[sflag:s23] =	ssyncset.done $0x0  }
0x4b: {  	[sflag:s23] =	ssyncadd.s32 $0xFFFFD800  }
0x4c: {  	[bflag:$0x0] =	sbarrier.arrive $0xFFFF  }
0x4d: {  	_ =	swait.ge [sflag:s24], $0x100  }
0x4e: {  	[sflag:s24] =	ssyncset.done $0x0  }
0x4f: {  	s11 =	simm.s32 $0x0;
	[sflag:s24] =	ssyncadd.s32 $0xFFFFFF00  }
0x50: {  	[tilespmem:s22], [sflag:$0x3] =	stream.indirect.gather [hbm4b:s5+s25], $0x80, s11, s25, $0xb8;
	[tilespmem:$0x19200] =	vst v63  }
0x51: {  	_ =	swait.ge [sflag:s26], $0x100  }
0x52: {  	[sflag:s26] =	ssyncset.done $0x0  }
0x53: {  	[sflag:s26] =	ssyncadd.s32 $0xFFFFFF00  }
0x54: {  	[tilespmem:s28], [sflag:$0x4] =	stream.indirect.gather [hbm4b:s5+s25], $0x80, s21, s25, $0xb8;
	[tilespmem:$0x19200] =	vst v63  }
0x55: {  	_ =	swait.ge [sflag:s29], $0x2800  }
0x56: {  	[sflag:s29] =	ssyncset.done $0x0  }
0x57: {  	[sflag:s29] =	ssyncadd.s32 $0xFFFFD800  }
0x58: {  	[spmem:s2] =	stream.indirect.scatter.add.f32 [tilespmem:s22], [sflag:$0x5], $0x80, s30, s25, $0xb8;
	[tilespmem:$0x19200] =	vst v63  }
0x59: {  	_ =	swait.ge [sflag:s31], $0x2800  }
0x5a: {  	s12 =	sshrl.u32 s20, $0x3;
	[sflag:s31] =	ssyncset.done $0x0  }
0x5b: {  	s10 =	sadd.s32 s1, s12;
	[sflag:s31] =	ssyncadd.s32 $0xFFFFD800  }
0x5c: {  	[tilespmem:s4], [sflag:$0x1] =	stream.linear.gather [hbm4b:s10+s4], $0x100, $0x38;
	[tilespmem:$0x19200] =	vst v63  }
0x5d: {  	_ =	swait.ge [sflag:s24], $0x100  }
0x5e: {  	[sflag:s24] =	ssyncset.done $0x0  }
0x5f: {  	[sflag:s24] =	ssyncadd.s32 $0xFFFFFF00  }
0x60: {  	[tilespmem:s22], [sflag:$0x3] =	stream.indirect.gather [hbm4b:s5+s25], $0x80, s4, s25, $0xb8;
	[tilespmem:$0x19200] =	vst v63  }
0x61: {  	_ =	swait.ge [sflag:s0], $0x2800  }
0x62: {  	[sflag:s0] =	ssyncset.done $0x0  }
0x63: {  	[sflag:s0] =	ssyncadd.s32 $0xFFFFD800  }
0x64: {  	[spmem:s2] =	stream.indirect.scatter.add.f32 [tilespmem:s28], [sflag:$0x6], $0x80, s3, s25, $0xb8;
	[tilespmem:$0x19200] =	vst v63  }
0x65: {  	_ =	swait.ge [sflag:s8], $0x2800  }
0x66: {  	[sflag:s8] =	ssyncset.done $0x0  }
0x67: {  	s13 =	sadd.s32 $0x0, s19;
	[sflag:s8] =	ssyncadd.s32 $0xFFFFD800  }
0x68: {  	[tilespmem:s21], [sflag:$0x2] =	stream.linear.gather [hbm4b:s13+s4], $0x100, $0x38;
	[tilespmem:$0x19200] =	vst v63  }
0x69: {  	_ =	swait.ge [sflag:s26], $0x100  }
0x6a: {  	[sflag:s26] =	ssyncset.done $0x0  }
0x6b: {  	s11 =	sadd.s32 $0x200, s20;
	s10 =	simm.s32 $0x40;
	[sflag:s26] =	ssyncadd.s32 $0xFFFFFF00  }
.LBB2_4:
0x6c: {  	[tilespmem:s28], [sflag:$0x4] =	stream.indirect.gather [hbm4b:s5+s25], $0x80, s21, s25, $0xb8;
	[tilespmem:$0x19200] =	vst v63  }
0x6d: {  	s12 =	smov.u32 s10  }
0x6e: {  	p0 =	sne.s32 s10, $0xF00;
	s10 =	sadd.s32 $0x40, s10;
	_ =	swait.ge [sflag:s29], $0x2800  }
0x6f: {  	[sflag:s29] =	ssyncset.done $0x0  }
0x70: {  	[sflag:s29] =	ssyncadd.s32 $0xFFFFD800  }
0x71: {  	[spmem:s2] =	stream.indirect.scatter.add.f32 [tilespmem:s22], [sflag:$0x5], $0x80, s30, s25, $0xb8;
	[tilespmem:$0x19200] =	vst v63  }
0x72: {  	_ =	swait.ge [sflag:s31], $0x2800  }
0x73: {  	s13 =	sshrl.u32 s11, $0x3;
	[sflag:s31] =	ssyncset.done $0x0  }
0x74: {  	s13 =	sadd.s32 s1, s13;
	[sflag:s31] =	ssyncadd.s32 $0xFFFFD800  }
0x75: {  	[tilespmem:s4], [sflag:$0x1] =	stream.linear.gather [hbm4b:s13+s4], $0x100, $0x38;
	[tilespmem:$0x19200] =	vst v63  }
0x76: {  	_ =	swait.ge [sflag:s24], $0x100  }
0x77: {  	[sflag:s24] =	ssyncset.done $0x0  }
0x78: {  	[sflag:s24] =	ssyncadd.s32 $0xFFFFFF00  }
0x79: {  	[tilespmem:s22], [sflag:$0x3] =	stream.indirect.gather [hbm4b:s5+s25], $0x80, s4, s25, $0xb8;
	[tilespmem:$0x19200] =	vst v63  }
0x7a: {  	_ =	swait.ge [sflag:s0], $0x2800  }
0x7b: {  	[sflag:s0] =	ssyncset.done $0x0  }
0x7c: {  	[sflag:s0] =	ssyncadd.s32 $0xFFFFD800  }
0x7d: {  	[spmem:s2] =	stream.indirect.scatter.add.f32 [tilespmem:s28], [sflag:$0x6], $0x80, s3, s25, $0xb8;
	[tilespmem:$0x19200] =	vst v63  }
0x7e: {  	_ =	swait.ge [sflag:s8], $0x2800  }
0x7f: {  	[sflag:s8] =	ssyncset.done $0x0  }
.Ltmp1:
0x80: {  	s12 =	sadd.s32 s12, s19;
	[sflag:s8] =	ssyncadd.s32 $0xFFFFD800;
	(pc) =	sbr.rel @p0 .LBB2_4-.Ltmp1, $4  }
0x81: {  	[tilespmem:s21], [sflag:$0x2] =	stream.linear.gather [hbm4b:s12+s4], $0x100, $0x38;
	[tilespmem:$0x19200] =	vst v63  }
0x82: {  	_ =	swait.ge [sflag:s26], $0x100  }
0x83: {  	[sflag:s26] =	ssyncset.done $0x0  }
0x84: {  	s11 =	sadd.s32 $0x200, s11;
	[sflag:s26] =	ssyncadd.s32 $0xFFFFFF00  }
0x85: {  	[tilespmem:s28], [sflag:$0x4] =	stream.indirect.gather [hbm4b:s5+s25], $0x80, s21, s25, $0xb8;
	[tilespmem:$0x19200] =	vst v63  }
0x86: {  	_ =	swait.ge [sflag:s29], $0x2800  }
0x87: {  	[sflag:s29] =	ssyncset.done $0x0  }
0x88: {  	[sflag:s29] =	ssyncadd.s32 $0xFFFFD800  }
0x89: {  	[spmem:s2] =	stream.indirect.scatter.add.f32 [tilespmem:s22], [sflag:$0x5], $0x80, s30, s25, $0xb8;
	[tilespmem:$0x19200] =	vst v63  }
0x8a: {  	_ =	swait.ge [sflag:s31], $0x2800  }
0x8b: {  	[sflag:s31] =	ssyncset.done $0x0  }
0x8c: {  	[sflag:s31] =	ssyncadd.s32 $0xFFFFD800  }
0x8d: {  	[tilespmem:s4], [sflag:$0x1] =	stream.linear.gather [hbm4b:s16+s4], $0x100, $0x38;
	[tilespmem:$0x19200] =	vst v63  }
0x8e: {  	_ =	swait.ge [sflag:s24], $0x100  }
0x8f: {  	[sflag:s24] =	ssyncset.done $0x0  }
0x90: {  	[sflag:s24] =	ssyncadd.s32 $0xFFFFFF00  }
0x91: {  	[tilespmem:s22], [sflag:$0x3] =	stream.indirect.gather [hbm4b:s5+s25], $0x80, s4, s25, $0xb8;
	[tilespmem:$0x19200] =	vst v63  }
0x92: {  	_ =	swait.ge [sflag:s0], $0x2800  }
0x93: {  	[sflag:s0] =	ssyncset.done $0x0  }
0x94: {  	[sflag:s0] =	ssyncadd.s32 $0xFFFFD800  }
0x95: {  	[spmem:s2] =	stream.indirect.scatter.add.f32 [tilespmem:s28], [sflag:$0x6], $0x80, s3, s25, $0xb8;
	[tilespmem:$0x19200] =	vst v63  }
0x96: {  	_ =	swait.ge [sflag:s8], $0x2800  }
0x97: {  	[sflag:s8] =	ssyncset.done $0x0  }
0x98: {  	[sflag:s8] =	ssyncadd.s32 $0xFFFFD800  }
0x99: {  	_ =	swait.ge [sflag:s29], $0x2800  }
0x9a: {  	[sflag:s29] =	ssyncset.done $0x0  }
0x9b: {  	[sflag:s29] =	ssyncadd.s32 $0xFFFFD800  }
0x9c: {  	[spmem:s2] =	stream.indirect.scatter.add.f32 [tilespmem:s22], [sflag:$0x5], $0x80, s30, s25, $0xb8;
	[tilespmem:$0x19200] =	vst v63  }
0x9d: {  	s10 =	stileid.u32;
	_ =	swait.ge [sflag:s31], $0x2800  }
0x9e: {  	s11 =	sshrl.u32 s7, $0x3;
	s9 =	sadd.s32 $0x1, s9;
	[sflag:s31] =	ssyncset.done $0x0  }
0x9f: {  	s10 =	sshll.u32 s10, $0x6;
	p0 =	sne.s32 s9, s18;
	[sflag:s31] =	ssyncadd.s32 $0xFFFFD800  }
.Ltmp2:
0xa0: {  	s10 =	sor.u32 $0x1C07, s10;
	[bflag:$0x0] =	sbarrier.arrive $0xFFFF;
	(pc) =	sbr.rel @p0 .LBB2_1-.Ltmp2, $4  }
0xa1: {  	[hbm:s17], [sflag:s10] =	dma.local [spmem:s11], $0x2800  }
0xa2: {  	_ =	swait.ge [sflag:s23], $0x2800  }
0xa3: {  	[sflag:s23] =	ssyncset.done $0x0  }
0xa4: {  	[sflag:s23] =	ssyncadd.s32 $0xFFFFD800  }
0xa5: {  	_ =	sfence.sel $0x180000  }
0xa6: {  	[bflag:$0x0] =	sbarrier.arrive $0xFFFF  }
0xa7: {  	_ =	strace $0x9000004A  }
0xa8: {  	s0 =	stileid.u32;
	[bflag:$0x2] =	sbarrier.arrive $0xFFFF  }
0xa9: {  	p0 =	sne.s32 s0, $0x0;
	s0 =	rddreg [dreg:$0x3]  }
0xaa: {  	s0 =	sadd.s32 @!p0 $0x100000, s0  }
0xab: {  	[sflag:s0] =	ssyncadd.tile.s32 @!p0 $0x1;
	_ =	shalt  }
.Lfunc_end2:
_tile_overlayer_lowered:
.L_overlay_start_2:
0xac: {  	(tag) =	ssettag $0x2  }
0xad: {  	s0 =	rddreg [dreg:$0x0];
	s2 =	stileid.u32  }
0xae: {  	s1 =	rddreg [dreg:$0x1];
	p0 =	sne.s32 s2, $0x0  }
0xaf: {  	s3 =	rddreg [dreg:$0x2];
	[bflag:$0x3] =	sbarrier.arrive $0xFFFF;
	s2 =	simm.s32 @!p0 $0x1C07  }
0xb0: {  	[timem:s3], [sflag:s2] =	dma.local @!p0 [hbm:s0], s1  }
0xb1: {  	s0 =	simm.s32 @!p0 $0x7  }
0xb2: {  	_ =	swait.ge @!p0 [sflag:s0], s1  }
0xb3: {  	s1 =	ssub.s32 @!p0 $0x0, s1;
	[sflag:s0] =	ssyncset.done @!p0 $0x0  }
0xb4: {  	[sflag:s0] =	ssyncadd.s32 @!p0 s1  }
0xb5: {  	[bflag:$0x3] =	sbarrier.arrive $0xFFFF  }
0xb6: {  	_ =	shalt  }

// kernel: _run.14.cloned.1.call-start
scs
__scs_entry_jumppad:
0x0: {  	(pc) =	sbr.rel $0x88, $3  }
0x1: {  	(tag) =	ssettag $0x0;
	lr =	simm.s32 $0x1  }
0x2: {  	[smem:$0x3F9B] =	sst lr;
	_ =	strace $0xD0000000  }
0x3: {  	_ = 	snop  }
0x4: {  	_ = 	snop  }
0x5: {  	_ = 	snop  }
0x6: {  	_ = 	snop  }
0x7: {  	_ = 	snop  }
__scs_overlays_trampoline_lowered:
0x8: {  	[smem:$0x3FAA] =	sst s0  }
0x9: {  	[smem:$0x3FAB] =	sst s1  }
0xa: {  	[smem:$0x3FAC] =	sst s2  }
0xb: {  	[smem:$0x3FAD] =	sst s3  }
0xc: {  	[smem:$0x3FAE] =	sst s4  }
0xd: {  	[smem:$0x3FAF] =	sst s5  }
0xe: {  	[smem:$0x3FB0] =	sst s6  }
0xf: {  	[smem:$0x3FB1] =	sst s7  }
0x10: {  	[smem:$0x3FB2] =	sst s8  }
0x11: {  	[smem:$0x3FB3] =	sst s9;
	s0 =	simm.s32 @!p0 $0x0  }
0x12: {  	s1 =	sld [smem:$0x3F99];
	s0 =	simm.s32 @p0 $0x1  }
0x13: {  	[smem:$0x3FB4] =	sst s0;
	s0 =	simm.s32 @!p1 $0x0  }
0x14: {  	s2 =	sld [smem:$0x3F98];
	s0 =	simm.s32 @p1 $0x1  }
0x15: {  	[smem:$0x3FB5] =	sst s0;
	s0 =	simm.s32 @!p2 $0x0  }
0x16: {  	s3 =	sld [smem:$0x3FDB];
	s0 =	simm.s32 @p2 $0x1  }
0x17: {  	s4 =	simm.s32 $0x1BF5;
	[smem:$0x3FB7] =	sst s0  }
0x18: {  	s0 =	sld [smem:$0x3F9A];
	_ =	swait.ge [sflag:s4], $0x0  }
0x19: {  	s7 =	sld [smem:$0x3F9B]  }
0x1a: {  	s8 =	sadd.s32 $0xFFFFE003, lr  }
0x1b: {  	s9 =	sadd.s32 $0xFFFFFEF7, lr;
	s5 =	simm.s32 $0xFFFFFFFF;
	p2 =	slt.u32 s8, $0xFFFFF086  }
0x1c: {  	p1 =	slt.u32 s9, $0xF7A;
	s5 =	simm.s32 @!p2 $0x0  }
0x1d: {  	s5 =	simm.s32 @p1 $0x1;
	p0 =	seq.s32 s7, s2  }
0x1e: {  	s7 =	smul.u32 @!p0 $0xF7A, s2;
	p2 =	seq.s32 @!p0 s5, $0x0  }
0x1f: {  	s9 =	smul.u32 $0xF7A, s1;
	s8 =	simm.s32 @!p0 $0x1BF5;
	p2 =	por !p2, p0  }
0x20: {  	[sflag:s8] =	ssyncset.s32 @!p0 $0xFFFFF086;
	s6 =	sadd.s32 @!p0 s3, s7;
	s7 =	simm.s32 @!p0 $0x108  }
0x21: {  	s3 =	sadd.s32 s3, s9;
	s6 =	sadd.s32 @!p0 $0x88, s6;
	s7 =	simm.s32 @p2 $0x1082  }
0x22: {  	[simem:s7], [sflag:s8] =	dma.local @!p0 [hbm:s6], $0xF7A  }
0x23: {  	s9 =	sor.u32 $0xD0000000, s2;
	s6 =	simm.s32 $0x108;
	_ =	swait.ge @!p0 [sflag:s8], $0x0  }
0x24: {  	s3 =	sadd.s32 $0x88, s3;
	s6 =	simm.s32 @!p1 $0x1082;
	[sflag:s4] =	ssyncset.s32 $0xFFFFF086  }
0x25: {  	[simem:s6], [sflag:s4] =	dma.local [hbm:s3], $0xF7A  }
0x26: {  	[smem:$0x3F9B] =	sst s1;
	(tag) =	ssettag s2;
	_ =	strace s9  }
0x27: {  	s1 =	sld [smem:$0x3FAB]  }
0x28: {  	s2 =	sld [smem:$0x3FAC]  }
0x29: {  	s4 =	sld [smem:$0x3FAE]  }
0x2a: {  	p0 =	seq.s32 s5, $0x0;
	s5 =	sld [smem:$0x3FAF]  }
0x2b: {  	s6 =	sld [smem:$0x3FB0]  }
0x2c: {  	s7 =	sld [smem:$0x3FB1]  }
0x2d: {  	s3 =	simm.s32 $0x108;
	s8 =	sld [smem:$0x3FB2]  }
0x2e: {  	s3 =	simm.s32 @!p0 $0x1082;
	s9 =	sld [smem:$0x3FB3]  }
0x2f: {  	lr =	sadd.s32 s0, s3;
	s0 =	sld [smem:$0x3FAA]  }
0x30: {  	s3 =	sld [smem:$0x3FAD]  }
0x31: {  	[smem:$0x3FB6] =	sst s10  }
0x32: {  	s10 =	sld [smem:$0x3FB4];
	_ =	sdelay $0x3  }
0x33: {  	p0 =	seq.s32 s10, $0x1;
	s10 =	sld [smem:$0x3FB6];
	_ =	sdelay $0x3  }
0x34: {  	[smem:$0x3FB6] =	sst s10  }
0x35: {  	s10 =	sld [smem:$0x3FB5];
	_ =	sdelay $0x3  }
0x36: {  	p1 =	seq.s32 s10, $0x1;
	s10 =	sld [smem:$0x3FB6];
	_ =	sdelay $0x3  }
0x37: {  	[smem:$0x3FB6] =	sst s10  }
0x38: {  	s10 =	sld [smem:$0x3FB7]  }
0x39: {  	_ = 	snop;
	(pc) =	sbr.ind lr, $3  }
0x3a: {  	_ = 	snop  }
0x3b: {  	_ = 	snop  }
0x3c: {  	p2 =	seq.s32 s10, $0x1;
	s10 =	sld [smem:$0x3FB6]  }
0x3d: {  	_ =	shalt  }
0x3e: {  	_ =	shalt  }
0x3f: {  	_ =	shalt  }
0x40: {  	_ =	shalt  }
0x41: {  	_ =	shalt  }
0x42: {  	_ =	shalt  }
0x43: {  	_ =	shalt  }
0x44: {  	_ =	shalt  }
0x45: {  	_ =	shalt  }
0x46: {  	_ =	shalt  }
0x47: {  	_ =	shalt  }
0x48: {  	_ =	shalt  }
0x49: {  	_ =	shalt  }
0x4a: {  	_ =	shalt  }
0x4b: {  	_ =	shalt  }
0x4c: {  	_ =	shalt  }
0x4d: {  	_ =	shalt  }
0x4e: {  	_ =	shalt  }
0x4f: {  	_ =	shalt  }
0x50: {  	_ =	shalt  }
0x51: {  	_ =	shalt  }
0x52: {  	_ =	shalt  }
0x53: {  	_ =	shalt  }
0x54: {  	_ =	shalt  }
0x55: {  	_ =	shalt  }
0x56: {  	_ =	shalt  }
0x57: {  	_ =	shalt  }
0x58: {  	_ =	shalt  }
0x59: {  	_ =	shalt  }
0x5a: {  	_ =	shalt  }
0x5b: {  	_ =	shalt  }
0x5c: {  	_ =	shalt  }
0x5d: {  	_ =	shalt  }
0x5e: {  	_ =	shalt  }
0x5f: {  	_ =	shalt  }
0x60: {  	_ =	shalt  }
0x61: {  	_ =	shalt  }
0x62: {  	_ =	shalt  }
0x63: {  	_ =	shalt  }
0x64: {  	_ =	shalt  }
0x65: {  	_ =	shalt  }
0x66: {  	_ =	shalt  }
0x67: {  	_ =	shalt  }
0x68: {  	_ =	shalt  }
0x69: {  	_ =	shalt  }
0x6a: {  	_ =	shalt  }
0x6b: {  	_ =	shalt  }
0x6c: {  	_ =	shalt  }
0x6d: {  	_ =	shalt  }
0x6e: {  	_ =	shalt  }
0x6f: {  	_ =	shalt  }
0x70: {  	_ =	shalt  }
0x71: {  	_ =	shalt  }
0x72: {  	_ =	shalt  }
0x73: {  	_ =	shalt  }
0x74: {  	_ =	shalt  }
0x75: {  	_ =	shalt  }
0x76: {  	_ =	shalt  }
0x77: {  	_ =	shalt  }
0x78: {  	_ =	shalt  }
0x79: {  	_ =	shalt  }
0x7a: {  	_ =	shalt  }
0x7b: {  	_ =	shalt  }
0x7c: {  	_ =	shalt  }
0x7d: {  	_ =	shalt  }
0x7e: {  	_ =	shalt  }
0x7f: {  	_ =	shalt  }
0x80: {  	_ =	shalt  }
0x81: {  	_ =	shalt  }
0x82: {  	_ =	shalt  }
0x83: {  	_ =	shalt  }
0x84: {  	_ =	shalt  }
0x85: {  	_ =	shalt  }
0x86: {  	_ =	shalt  }
0x87: {  	_ =	shalt  }
.Lfunc_end0:
.L_simem_size_0:
called_computation.2_lowered:
.L_overlay_start_0:
0x88: {  	s2 =	sld [smem:$0x3FD9]  }
0x89: {  	s3 =	sld [smem:$0x3FFE];
	_ =	sdelay $0x1  }
0x8a: {  	s1 =	srdreg.scid  }
0x8b: {  	s0 =	sand.u32 $0x1, s1  }
0x8c: {  	s17 =	sshll.u32 s0, $0xA;
	s2 =	sadd.s32 s3, s2  }
0x8d: {  	s2 =	sadd.s32 s2, s17  }
0x8e: {  	[smem:$0x3FC2] =	sst s2  }
0x8f: {  	_ = 	snop  }
0x90: {  	s2 =	sld [smem:$0x3FD0];
	(tm) =	ssettm $0x1  }
0x91: {  	s18 =	sld [smem:$0x3FFB];
	_ =	sdelay $0x3  }
0x92: {  	_ =	strace s18  }
0x93: {  	s3 =	sld [smem:$0x3FFC];
	_ =	sdelay $0x3  }
0x94: {  	_ =	strace s3  }
0x95: {  	s3 =	sld [smem:$0x3FFD];
	_ =	sdelay $0x3  }
0x96: {  	_ =	strace s3  }
0x97: {  	_ =	strace $0x8FFFFFFF  }
0x98: {  	s19 =	sld [smem:$0x3FDB];
	_ =	sdelay $0x1  }
0x99: {  	s4 =	simm.s32 $_scs_section_size  }
0x9a: {  	s5 =	simm.s32 $_size__tile_overlayer_lowered;
	s6 =	simm.s32 $_tile_overlayer_lowered  }
0x9b: {  	s22 =	simm.s32 $0x1BFF;
	s21 =	sshll.u32 s6, $0x1;
	s3 =	sadd.s32 s4, s19  }
0x9c: {  	s7 =	simm.s32 $0x0;
	s20 =	sshll.u32 s5, $0x1;
	s5 =	sadd.s32 s21, s3  }
0x9d: {  	[timem:s7], [sflag:s22] =	dma.local [hbm:s5], s20  }
0x9e: {  	_ =	swait.ge [sflag:s22], s20  }
0x9f: {  	s4 =	ssub.s32 $0x0, s20;
	[sflag:s22] =	ssyncset.done $0x0  }
0xa0: {  	[sflag:s22] =	ssyncadd.s32 s4;
	_ =	sdelay $0x1  }
0xa1: {  	s23 =	simm.s32 $0x1B8B  }
0xa2: {  	_ =	swait.ge [sflag:s23], $0x1  }
0xa3: {  	[sflag:s23] =	ssyncset.done $0x0  }
0xa4: {  	s25 =	simm.s32 $0x1B8E;
	s24 =	sld [smem:$0x3FFE];
	[sflag:s23] =	ssyncadd.s32 $0xFFFFFFFF  }
0xa5: {  	s26 =	simm.s32 $execute0_lowered;
	[smem:$0x3FD2] =	sst s25  }
0xa6: {  	s5 =	sshll.u32 s26, $0x1;
	_ =	strace $0x8000004C;
	[dreg:$0x1] =	wrdreg $0xFFFFFFFF  }
0xa7: {  	s28 =	simm.s32 $_size_execute0_lowered;
	s3 =	sadd.s32 s3, s5;
	[dreg:$0x0] =	wrdreg $0x0  }
0xa8: {  	s5 =	sshll.u32 s28, $0x1;
	[dreg:$0x2] =	wrdreg s3  }
0xa9: {  	[dreg:$0x3] =	wrdreg s5  }
0xaa: {  	[dreg:$0x4] =	wrdreg $0xC0  }
0xab: {  	_ =	task [dreg:s7], $0x5FFFF  }
0xac: {  	[dreg:$0x1] =	wrdreg $0xFFFFFFFF  }
0xad: {  	[dreg:$0x0] =	wrdreg $0x60  }
0xae: {  	[dreg:$0x2] =	wrdreg s24  }
0xaf: {  	[dreg:$0x3] =	wrdreg s2  }
0xb0: {  	[dreg:$0x4] =	wrdreg $0x52000  }
0xb1: {  	[dreg:$0x5] =	wrdreg $0x9  }
0xb2: {  	_ =	task.clear_ibuf [dreg:s7], $0x6FFFF;
	_ =	strace $0x9000004C  }
0xb3: {  	s29 =	simm.s32 $0x9;
	_ =	strace $0x8000004E  }
0xb4: {  	_ =	swait.ge [sflag:s29], $0x1  }
0xb5: {  	[sflag:s29] =	ssyncadd.s32 $0xFFFFFFFF  }
0xb6: {  	_ =	strace $0x9000004E  }
0xb7: {  	_ =	sfence  }
0xb8: {  	s30 =	sld [smem:$0x0];
	_ =	sdelay $0x2  }
0xb9: {  	s31 =	sshll.u32 s1, $0xD;
	s1 =	sshrl.u32 s1, $0x2  }
0xba: {  	s3 =	sand.u32 $0x4000, s31;
	s1 =	sadd.s32 s1, s30  }
0xbb: {  	s0 =	sor.u32 s3, s0;
	s1 =	sshll.u32 s1, $0x11  }
0xbc: {  	s0 =	sor.u32 s1, s0  }
0xbd: {  	s0 =	sadd.s32 $0x8F2B, s0  }
0xbe: {  	[sflag:s0] =	ssyncadd.remote.s32 $0x1  }
0xbf: {  	_ =	sfence.sel $0xFFFF  }
0xc0: {  	[dreg:$0x0] =	wrdreg $0xFFFFFFFF;
	(pc) =	sbr.abs _section_cstart, $3  }
0xc1: {  	[dreg:$0x1] =	wrdreg $0xFFFFFFFF  }
0xc2: {  	_ =	task.clear_ibuf [dreg:s7], $0x2FFFF;
	_ =	strace $0x9FFFFFFF  }
0xc3: {  	(tm) =	ssettm $0x7FFFFFFF  }
tec
execute0_lowered:
.L_overlay_start_1:
0x0: {  	(tag) =	ssettag $0x1  }
0x1: {  	s0 =	rddreg [dreg:$0x0]  }
0x2: {  	s1 =	rddreg [dreg:$0x1]  }
0x3: {  	s2 =	rddreg [dreg:$0x2];
	s11 =	stileid.u32  }
0x4: {  	s3 =	srdreg.scid;
	s4 =	simm.s32 $0x0;
	s6 =	smul.u32 $0x14000, s11  }
0x5: {  	s28 =	simm.s32 $0x2A00;
	s29 =	simm.s32 $0x3;
	s10 =	smul.u32 $0x50000, s11  }
0x6: {  	s30 =	simm.s32 $0x80;
	s3 =	sand.u32 $0x1, s3;
	s19 =	smul.u32 $0xFA00, s11  }
0x7: {  	[smem:$0x7FF] =	sst s4;
	s7 =	sshll.u32 s11, $0x1;
	s5 =	smul.u32 $0x140000, s3  }
0x8: {  	s7 =	sor.u32 s3, s7;
	s12 =	ssub.s32 $0x2, s3;
	s3 =	smul.u32 $0x7D00, s3  }
0x9: {  	s31 =	simm.s32 $0x5;
	_ =	strace $0x8000004D;
	s7 =	smul.u32 $0x7D00, s7  }
0xa: {  	s9 =	sshrl.u32 s12, $0x1;
	s18 =	sshrl.u32 s10, $0x2;
	s5 =	sadd.s32 s6, s5  }
0xb: {  	s13 =	ssub.s32 s12, s9;
	s3 =	sadd.s32 s3, s19;
	s8 =	sshrl.u32 s5, $0x3  }
0xc: {  	s5 =	sadd.s32 $0x2800, s0;
	s17 =	sshrl.u32 s7, $0x3;
	s7 =	sadd.s32 s18, s2  }
0xd: {  	s26 =	sadd.s32 $0x300, s3;
	s18 =	smax.u32 s13, $0x1;
	s0 =	sadd.s32 s8, s0  }
0xe: {  	s6 =	sadd.s32 s1, s17;
	s21 =	sadd.s32 $0x2800, s7;
	s22 =	sadd.s32 $0x5000, s7  }
0xf: {  	s23 =	sadd.s32 $0x7800, s7;
	s24 =	sadd.s32 $0xA000, s7;
	[dreg:$0x5] =	wrdreg s21  }
0x10: {  	s25 =	sadd.s32 $0xC800, s7;
	s14 =	sadd.s32 $0xF000, s7;
	[dreg:$0x6] =	wrdreg s22  }
0x11: {  	s15 =	sadd.s32 $0x11800, s7;
	s9 =	sshrl.u32 s26, $0x3;
	[dreg:$0x7] =	wrdreg s23  }
0x12: {  	s26 =	simm.s32 $0x2;
	s8 =	simm.s32 $0x6;
	[dreg:$0x8] =	wrdreg s24  }
0x13: {  	s20 =	sadd.s32 $0x20, s6;
	[dreg:$0x9] =	wrdreg s25;
	s16 =	sadd.s32 $0xF80, s6  }
0x14: {  	s17 =	sadd.s32 $0x2A800, s0;
	s19 =	sadd.s32 s9, s1;
	s21 =	simm.s32 $0x100  }
0x15: {  	s22 =	simm.s32 $0x200;
	s23 =	simm.s32 $0x7;
	s24 =	simm.s32 $0x1  }
0x16: {  	s25 =	simm.s32 $0x50;
	s0 =	simm.s32 $0x4;
	s9 =	simm.s32 $0x0  }
0x17: {  	v0 =	vimm.f32 $0.0e+00;
	[dreg:$0x4] =	wrdreg s20;
	s20 =	sadd.s32 $0x200, s3;
	s3 =	simm.s32 $0x180  }
.LBB2_1:
0x18: {  	[tilespmem:s4], [sflag:$0x1] =	stream.linear.gather [hbm4b:s6+s4], $0x100, $0x38;
	[tilespmem:$0x19200] =	vst v63  }
0x19: {  	s10 =	rddreg [dreg:$0x4]  }
0x1a: {  	[tilespmem:s21], [sflag:$0x2] =	stream.linear.gather [hbm4b:s10+s4], $0x100, $0x38;
	[tilespmem:$0x19200] =	vst v63  }
0x1b: {  	s11 =	simm.s32 $0x200;
	s10 =	simm.s32 $0x0  }
.LBB2_2:
0x1c: {  	p0 =	sne.s32 s11, $0x9E00;
	[tilespmem:s10+$0x270] =	vst v0  }
0x1d: {  	[tilespmem:s10+$0x200] =	vst v0  }
0x1e: {  	[tilespmem:s10+$0x210] =	vst v0  }
.Ltmp0:
0x1f: {  	[tilespmem:s10+$0x220] =	vst v0;
	(pc) =	sbr.rel @p0 .LBB2_2-.Ltmp0, $4  }
0x20: {  	[tilespmem:s10+$0x230] =	vst v0  }
0x21: {  	[tilespmem:s10+$0x240] =	vst v0  }
0x22: {  	[tilespmem:s10+$0x250] =	vst v0  }
0x23: {  	[tilespmem:s10+$0x260] =	vst v0;
	s10 =	sshra.s32 s11, $0x2;
	s11 =	sadd.s32 $0x200, s11  }
0x24: {  	[tilespmem:s10+$0x270] =	vst v0  }
0x25: {  	[tilespmem:s10+$0x200] =	vst v0  }
0x26: {  	[tilespmem:s10+$0x210] =	vst v0  }
0x27: {  	[tilespmem:s10+$0x220] =	vst v0  }
0x28: {  	[tilespmem:s10+$0x230] =	vst v0  }
0x29: {  	[tilespmem:s10+$0x240] =	vst v0  }
0x2a: {  	[tilespmem:s10+$0x250] =	vst v0  }
0x2b: {  	[tilespmem:s10+$0x260] =	vst v0  }
0x2c: {  	[spmem:s7] =	stream.linear.scatter [tilespmem:s22], [sflag:$0x7], $0x2800, $0x38;
	[tilespmem:$0x19200] =	vst v63  }
0x2d: {  	_ =	swait.ge [sflag:s23], $0x2800  }
0x2e: {  	[sflag:s23] =	ssyncset.done $0x0  }
0x2f: {  	s12 =	rddreg [dreg:$0x5];
	[sflag:s23] =	ssyncadd.s32 $0xFFFFD800  }
0x30: {  	[spmem:s12] =	stream.linear.scatter [tilespmem:s22], [sflag:$0x7], $0x2800, $0x38;
	[tilespmem:$0x19200] =	vst v63  }
0x31: {  	_ =	swait.ge [sflag:s23], $0x2800  }
0x32: {  	[sflag:s23] =	ssyncset.done $0x0  }
0x33: {  	s13 =	rddreg [dreg:$0x6];
	[sflag:s23] =	ssyncadd.s32 $0xFFFFD800  }
0x34: {  	[spmem:s13] =	stream.linear.scatter [tilespmem:s22], [sflag:$0x7], $0x2800, $0x38;
	[tilespmem:$0x19200] =	vst v63  }
0x35: {  	_ =	swait.ge [sflag:s23], $0x2800  }
0x36: {  	[sflag:s23] =	ssyncset.done $0x0  }
0x37: {  	s11 =	rddreg [dreg:$0x7];
	[sflag:s23] =	ssyncadd.s32 $0xFFFFD800  }
0x38: {  	[spmem:s11] =	stream.linear.scatter [tilespmem:s22], [sflag:$0x7], $0x2800, $0x38;
	[tilespmem:$0x19200] =	vst v63  }
0x39: {  	_ =	swait.ge [sflag:s23], $0x2800  }
0x3a: {  	[sflag:s23] =	ssyncset.done $0x0  }
0x3b: {  	s12 =	rddreg [dreg:$0x8];
	[sflag:s23] =	ssyncadd.s32 $0xFFFFD800  }
0x3c: {  	[spmem:s12] =	stream.linear.scatter [tilespmem:s22], [sflag:$0x7], $0x2800, $0x38;
	[tilespmem:$0x19200] =	vst v63  }
0x3d: {  	_ =	swait.ge [sflag:s23], $0x2800  }
0x3e: {  	[sflag:s23] =	ssyncset.done $0x0  }
0x3f: {  	s13 =	rddreg [dreg:$0x9];
	[sflag:s23] =	ssyncadd.s32 $0xFFFFD800  }
0x40: {  	[spmem:s13] =	stream.linear.scatter [tilespmem:s22], [sflag:$0x7], $0x2800, $0x38;
	[tilespmem:$0x19200] =	vst v63  }
0x41: {  	_ =	swait.ge [sflag:s23], $0x2800  }
0x42: {  	[sflag:s23] =	ssyncset.done $0x0  }
0x43: {  	[sflag:s23] =	ssyncadd.s32 $0xFFFFD800  }
0x44: {  	[spmem:s14] =	stream.linear.scatter [tilespmem:s22], [sflag:$0x7], $0x2800, $0x38;
	[tilespmem:$0x19200] =	vst v63  }
0x45: {  	_ =	swait.ge [sflag:s23], $0x2800  }
0x46: {  	[sflag:s23] =	ssyncset.done $0x0  }
0x47: {  	[sflag:s23] =	ssyncadd.s32 $0xFFFFD800  }
0x48: {  	[spmem:s15] =	stream.linear.scatter [tilespmem:s22], [sflag:$0x7], $0x2800, $0x38;
	[tilespmem:$0x19200] =	vst v63  }
0x49: {  	_ =	swait.ge [sflag:s23], $0x2800  }
0x4a: {  	[sflag:s23] =	ssyncset.done $0x0  }
0x4b: {  	[sflag:s23] =	ssyncadd.s32 $0xFFFFD800  }
0x4c: {  	[bflag:$0x0] =	sbarrier.arrive $0xFFFF  }
0x4d: {  	_ =	swait.ge [sflag:s24], $0x100  }
0x4e: {  	[sflag:s24] =	ssyncset.done $0x0  }
0x4f: {  	s11 =	simm.s32 $0x0;
	[sflag:s24] =	ssyncadd.s32 $0xFFFFFF00  }
0x50: {  	[tilespmem:s22], [sflag:$0x3] =	stream.indirect.gather [hbm4b:s5+s25], $0x80, s11, s25, $0xb8;
	[tilespmem:$0x19200] =	vst v63  }
0x51: {  	_ =	swait.ge [sflag:s26], $0x100  }
0x52: {  	[sflag:s26] =	ssyncset.done $0x0  }
0x53: {  	[sflag:s26] =	ssyncadd.s32 $0xFFFFFF00  }
0x54: {  	[tilespmem:s28], [sflag:$0x4] =	stream.indirect.gather [hbm4b:s5+s25], $0x80, s21, s25, $0xb8;
	[tilespmem:$0x19200] =	vst v63  }
0x55: {  	_ =	swait.ge [sflag:s29], $0x2800  }
0x56: {  	[sflag:s29] =	ssyncset.done $0x0  }
0x57: {  	[sflag:s29] =	ssyncadd.s32 $0xFFFFD800  }
0x58: {  	[spmem:s2] =	stream.indirect.scatter.add.f32 [tilespmem:s22], [sflag:$0x5], $0x80, s30, s25, $0xb8;
	[tilespmem:$0x19200] =	vst v63  }
0x59: {  	_ =	swait.ge [sflag:s31], $0x2800  }
0x5a: {  	s12 =	sshrl.u32 s20, $0x3;
	[sflag:s31] =	ssyncset.done $0x0  }
0x5b: {  	s10 =	sadd.s32 s1, s12;
	[sflag:s31] =	ssyncadd.s32 $0xFFFFD800  }
0x5c: {  	[tilespmem:s4], [sflag:$0x1] =	stream.linear.gather [hbm4b:s10+s4], $0x100, $0x38;
	[tilespmem:$0x19200] =	vst v63  }
0x5d: {  	_ =	swait.ge [sflag:s24], $0x100  }
0x5e: {  	[sflag:s24] =	ssyncset.done $0x0  }
0x5f: {  	[sflag:s24] =	ssyncadd.s32 $0xFFFFFF00  }
0x60: {  	[tilespmem:s22], [sflag:$0x3] =	stream.indirect.gather [hbm4b:s5+s25], $0x80, s4, s25, $0xb8;
	[tilespmem:$0x19200] =	vst v63  }
0x61: {  	_ =	swait.ge [sflag:s0], $0x2800  }
0x62: {  	[sflag:s0] =	ssyncset.done $0x0  }
0x63: {  	[sflag:s0] =	ssyncadd.s32 $0xFFFFD800  }
0x64: {  	[spmem:s2] =	stream.indirect.scatter.add.f32 [tilespmem:s28], [sflag:$0x6], $0x80, s3, s25, $0xb8;
	[tilespmem:$0x19200] =	vst v63  }
0x65: {  	_ =	swait.ge [sflag:s8], $0x2800  }
0x66: {  	[sflag:s8] =	ssyncset.done $0x0  }
0x67: {  	s13 =	sadd.s32 $0x0, s19;
	[sflag:s8] =	ssyncadd.s32 $0xFFFFD800  }
0x68: {  	[tilespmem:s21], [sflag:$0x2] =	stream.linear.gather [hbm4b:s13+s4], $0x100, $0x38;
	[tilespmem:$0x19200] =	vst v63  }
0x69: {  	_ =	swait.ge [sflag:s26], $0x100  }
0x6a: {  	[sflag:s26] =	ssyncset.done $0x0  }
0x6b: {  	s11 =	sadd.s32 $0x200, s20;
	s10 =	simm.s32 $0x40;
	[sflag:s26] =	ssyncadd.s32 $0xFFFFFF00  }
.LBB2_4:
0x6c: {  	[tilespmem:s28], [sflag:$0x4] =	stream.indirect.gather [hbm4b:s5+s25], $0x80, s21, s25, $0xb8;
	[tilespmem:$0x19200] =	vst v63  }
0x6d: {  	s12 =	smov.u32 s10  }
0x6e: {  	p0 =	sne.s32 s10, $0xF00;
	s10 =	sadd.s32 $0x40, s10;
	_ =	swait.ge [sflag:s29], $0x2800  }
0x6f: {  	[sflag:s29] =	ssyncset.done $0x0  }
0x70: {  	[sflag:s29] =	ssyncadd.s32 $0xFFFFD800  }
0x71: {  	[spmem:s2] =	stream.indirect.scatter.add.f32 [tilespmem:s22], [sflag:$0x5], $0x80, s30, s25, $0xb8;
	[tilespmem:$0x19200] =	vst v63  }
0x72: {  	_ =	swait.ge [sflag:s31], $0x2800  }
0x73: {  	s13 =	sshrl.u32 s11, $0x3;
	[sflag:s31] =	ssyncset.done $0x0  }
0x74: {  	s13 =	sadd.s32 s1, s13;
	[sflag:s31] =	ssyncadd.s32 $0xFFFFD800  }
0x75: {  	[tilespmem:s4], [sflag:$0x1] =	stream.linear.gather [hbm4b:s13+s4], $0x100, $0x38;
	[tilespmem:$0x19200] =	vst v63  }
0x76: {  	_ =	swait.ge [sflag:s24], $0x100  }
0x77: {  	[sflag:s24] =	ssyncset.done $0x0  }
0x78: {  	[sflag:s24] =	ssyncadd.s32 $0xFFFFFF00  }
0x79: {  	[tilespmem:s22], [sflag:$0x3] =	stream.indirect.gather [hbm4b:s5+s25], $0x80, s4, s25, $0xb8;
	[tilespmem:$0x19200] =	vst v63  }
0x7a: {  	_ =	swait.ge [sflag:s0], $0x2800  }
0x7b: {  	[sflag:s0] =	ssyncset.done $0x0  }
0x7c: {  	[sflag:s0] =	ssyncadd.s32 $0xFFFFD800  }
0x7d: {  	[spmem:s2] =	stream.indirect.scatter.add.f32 [tilespmem:s28], [sflag:$0x6], $0x80, s3, s25, $0xb8;
	[tilespmem:$0x19200] =	vst v63  }
0x7e: {  	_ =	swait.ge [sflag:s8], $0x2800  }
0x7f: {  	[sflag:s8] =	ssyncset.done $0x0  }
.Ltmp1:
0x80: {  	s12 =	sadd.s32 s12, s19;
	[sflag:s8] =	ssyncadd.s32 $0xFFFFD800;
	(pc) =	sbr.rel @p0 .LBB2_4-.Ltmp1, $4  }
0x81: {  	[tilespmem:s21], [sflag:$0x2] =	stream.linear.gather [hbm4b:s12+s4], $0x100, $0x38;
	[tilespmem:$0x19200] =	vst v63  }
0x82: {  	_ =	swait.ge [sflag:s26], $0x100  }
0x83: {  	[sflag:s26] =	ssyncset.done $0x0  }
0x84: {  	s11 =	sadd.s32 $0x200, s11;
	[sflag:s26] =	ssyncadd.s32 $0xFFFFFF00  }
0x85: {  	[tilespmem:s28], [sflag:$0x4] =	stream.indirect.gather [hbm4b:s5+s25], $0x80, s21, s25, $0xb8;
	[tilespmem:$0x19200] =	vst v63  }
0x86: {  	_ =	swait.ge [sflag:s29], $0x2800  }
0x87: {  	[sflag:s29] =	ssyncset.done $0x0  }
0x88: {  	[sflag:s29] =	ssyncadd.s32 $0xFFFFD800  }
0x89: {  	[spmem:s2] =	stream.indirect.scatter.add.f32 [tilespmem:s22], [sflag:$0x5], $0x80, s30, s25, $0xb8;
	[tilespmem:$0x19200] =	vst v63  }
0x8a: {  	_ =	swait.ge [sflag:s31], $0x2800  }
0x8b: {  	[sflag:s31] =	ssyncset.done $0x0  }
0x8c: {  	[sflag:s31] =	ssyncadd.s32 $0xFFFFD800  }
0x8d: {  	[tilespmem:s4], [sflag:$0x1] =	stream.linear.gather [hbm4b:s16+s4], $0x100, $0x38;
	[tilespmem:$0x19200] =	vst v63  }
0x8e: {  	_ =	swait.ge [sflag:s24], $0x100  }
0x8f: {  	[sflag:s24] =	ssyncset.done $0x0  }
0x90: {  	[sflag:s24] =	ssyncadd.s32 $0xFFFFFF00  }
0x91: {  	[tilespmem:s22], [sflag:$0x3] =	stream.indirect.gather [hbm4b:s5+s25], $0x80, s4, s25, $0xb8;
	[tilespmem:$0x19200] =	vst v63  }
0x92: {  	_ =	swait.ge [sflag:s0], $0x2800  }
0x93: {  	[sflag:s0] =	ssyncset.done $0x0  }
0x94: {  	[sflag:s0] =	ssyncadd.s32 $0xFFFFD800  }
0x95: {  	[spmem:s2] =	stream.indirect.scatter.add.f32 [tilespmem:s28], [sflag:$0x6], $0x80, s3, s25, $0xb8;
	[tilespmem:$0x19200] =	vst v63  }
0x96: {  	_ =	swait.ge [sflag:s8], $0x2800  }
0x97: {  	[sflag:s8] =	ssyncset.done $0x0  }
0x98: {  	[sflag:s8] =	ssyncadd.s32 $0xFFFFD800  }
0x99: {  	_ =	swait.ge [sflag:s29], $0x2800  }
0x9a: {  	[sflag:s29] =	ssyncset.done $0x0  }
0x9b: {  	[sflag:s29] =	ssyncadd.s32 $0xFFFFD800  }
0x9c: {  	[spmem:s2] =	stream.indirect.scatter.add.f32 [tilespmem:s22], [sflag:$0x5], $0x80, s30, s25, $0xb8;
	[tilespmem:$0x19200] =	vst v63  }
0x9d: {  	s10 =	stileid.u32;
	_ =	swait.ge [sflag:s31], $0x2800  }
0x9e: {  	s11 =	sshrl.u32 s7, $0x3;
	s9 =	sadd.s32 $0x1, s9;
	[sflag:s31] =	ssyncset.done $0x0  }
0x9f: {  	s10 =	sshll.u32 s10, $0x6;
	p0 =	sne.s32 s9, s18;
	[sflag:s31] =	ssyncadd.s32 $0xFFFFD800  }
.Ltmp2:
0xa0: {  	s10 =	sor.u32 $0x1C07, s10;
	[bflag:$0x0] =	sbarrier.arrive $0xFFFF;
	(pc) =	sbr.rel @p0 .LBB2_1-.Ltmp2, $4  }
0xa1: {  	[hbm:s17], [sflag:s10] =	dma.local [spmem:s11], $0x2800  }
0xa2: {  	_ =	swait.ge [sflag:s23], $0x2800  }
0xa3: {  	[sflag:s23] =	ssyncset.done $0x0  }
0xa4: {  	[sflag:s23] =	ssyncadd.s32 $0xFFFFD800  }
0xa5: {  	_ =	sfence.sel $0x180000  }
0xa6: {  	[bflag:$0x0] =	sbarrier.arrive $0xFFFF  }
0xa7: {  	_ =	strace $0x9000004D  }
0xa8: {  	s0 =	stileid.u32;
	[bflag:$0x2] =	sbarrier.arrive $0xFFFF  }
0xa9: {  	p0 =	sne.s32 s0, $0x0;
	s0 =	rddreg [dreg:$0x3]  }
0xaa: {  	s0 =	sadd.s32 @!p0 $0x100000, s0  }
0xab: {  	[sflag:s0] =	ssyncadd.tile.s32 @!p0 $0x1;
	_ =	shalt  }
.Lfunc_end2:
_tile_overlayer_lowered:
.L_overlay_start_2:
0xac: {  	(tag) =	ssettag $0x2  }
0xad: {  	s0 =	rddreg [dreg:$0x0];
	s2 =	stileid.u32  }
0xae: {  	s1 =	rddreg [dreg:$0x1];
	p0 =	sne.s32 s2, $0x0  }
0xaf: {  	s3 =	rddreg [dreg:$0x2];
	[bflag:$0x3] =	sbarrier.arrive $0xFFFF;
	s2 =	simm.s32 @!p0 $0x1C07  }
0xb0: {  	[timem:s3], [sflag:s2] =	dma.local @!p0 [hbm:s0], s1  }
0xb1: {  	s0 =	simm.s32 @!p0 $0x7  }
0xb2: {  	_ =	swait.ge @!p0 [sflag:s0], s1  }
0xb3: {  	s1 =	ssub.s32 @!p0 $0x0, s1;
	[sflag:s0] =	ssyncset.done @!p0 $0x0  }
0xb4: {  	[sflag:s0] =	ssyncadd.s32 @!p0 s1  }
0xb5: {  	[bflag:$0x3] =	sbarrier.arrive $0xFFFF  }
0xb6: {  	_ =	shalt  }

// kernel: _run.8.cloned.1.call-start
scs
__scs_entry_jumppad:
0x0: {  	(pc) =	sbr.rel $0x88, $3  }
0x1: {  	(tag) =	ssettag $0x0;
	lr =	simm.s32 $0x1  }
0x2: {  	[smem:$0x3F9B] =	sst lr;
	_ =	strace $0xD0000000  }
0x3: {  	_ = 	snop  }
0x4: {  	_ = 	snop  }
0x5: {  	_ = 	snop  }
0x6: {  	_ = 	snop  }
0x7: {  	_ = 	snop  }
__scs_overlays_trampoline_lowered:
0x8: {  	[smem:$0x3FAA] =	sst s0  }
0x9: {  	[smem:$0x3FAB] =	sst s1  }
0xa: {  	[smem:$0x3FAC] =	sst s2  }
0xb: {  	[smem:$0x3FAD] =	sst s3  }
0xc: {  	[smem:$0x3FAE] =	sst s4  }
0xd: {  	[smem:$0x3FAF] =	sst s5  }
0xe: {  	[smem:$0x3FB0] =	sst s6  }
0xf: {  	[smem:$0x3FB1] =	sst s7  }
0x10: {  	[smem:$0x3FB2] =	sst s8  }
0x11: {  	[smem:$0x3FB3] =	sst s9;
	s0 =	simm.s32 @!p0 $0x0  }
0x12: {  	s1 =	sld [smem:$0x3F99];
	s0 =	simm.s32 @p0 $0x1  }
0x13: {  	[smem:$0x3FB4] =	sst s0;
	s0 =	simm.s32 @!p1 $0x0  }
0x14: {  	s2 =	sld [smem:$0x3F98];
	s0 =	simm.s32 @p1 $0x1  }
0x15: {  	[smem:$0x3FB5] =	sst s0;
	s0 =	simm.s32 @!p2 $0x0  }
0x16: {  	s3 =	sld [smem:$0x3FDB];
	s0 =	simm.s32 @p2 $0x1  }
0x17: {  	s4 =	simm.s32 $0x1BF5;
	[smem:$0x3FB7] =	sst s0  }
0x18: {  	s0 =	sld [smem:$0x3F9A];
	_ =	swait.ge [sflag:s4], $0x0  }
0x19: {  	s7 =	sld [smem:$0x3F9B]  }
0x1a: {  	s8 =	sadd.s32 $0xFFFFE003, lr  }
0x1b: {  	s9 =	sadd.s32 $0xFFFFFEF7, lr;
	s5 =	simm.s32 $0xFFFFFFFF;
	p2 =	slt.u32 s8, $0xFFFFF086  }
0x1c: {  	p1 =	slt.u32 s9, $0xF7A;
	s5 =	simm.s32 @!p2 $0x0  }
0x1d: {  	s5 =	simm.s32 @p1 $0x1;
	p0 =	seq.s32 s7, s2  }
0x1e: {  	s7 =	smul.u32 @!p0 $0xF7A, s2;
	p2 =	seq.s32 @!p0 s5, $0x0  }
0x1f: {  	s9 =	smul.u32 $0xF7A, s1;
	s8 =	simm.s32 @!p0 $0x1BF5;
	p2 =	por !p2, p0  }
0x20: {  	[sflag:s8] =	ssyncset.s32 @!p0 $0xFFFFF086;
	s6 =	sadd.s32 @!p0 s3, s7;
	s7 =	simm.s32 @!p0 $0x108  }
0x21: {  	s3 =	sadd.s32 s3, s9;
	s6 =	sadd.s32 @!p0 $0x88, s6;
	s7 =	simm.s32 @p2 $0x1082  }
0x22: {  	[simem:s7], [sflag:s8] =	dma.local @!p0 [hbm:s6], $0xF7A  }
0x23: {  	s9 =	sor.u32 $0xD0000000, s2;
	s6 =	simm.s32 $0x108;
	_ =	swait.ge @!p0 [sflag:s8], $0x0  }
0x24: {  	s3 =	sadd.s32 $0x88, s3;
	s6 =	simm.s32 @!p1 $0x1082;
	[sflag:s4] =	ssyncset.s32 $0xFFFFF086  }
0x25: {  	[simem:s6], [sflag:s4] =	dma.local [hbm:s3], $0xF7A  }
0x26: {  	[smem:$0x3F9B] =	sst s1;
	(tag) =	ssettag s2;
	_ =	strace s9  }
0x27: {  	s1 =	sld [smem:$0x3FAB]  }
0x28: {  	s2 =	sld [smem:$0x3FAC]  }
0x29: {  	s4 =	sld [smem:$0x3FAE]  }
0x2a: {  	p0 =	seq.s32 s5, $0x0;
	s5 =	sld [smem:$0x3FAF]  }
0x2b: {  	s6 =	sld [smem:$0x3FB0]  }
0x2c: {  	s7 =	sld [smem:$0x3FB1]  }
0x2d: {  	s3 =	simm.s32 $0x108;
	s8 =	sld [smem:$0x3FB2]  }
0x2e: {  	s3 =	simm.s32 @!p0 $0x1082;
	s9 =	sld [smem:$0x3FB3]  }
0x2f: {  	lr =	sadd.s32 s0, s3;
	s0 =	sld [smem:$0x3FAA]  }
0x30: {  	s3 =	sld [smem:$0x3FAD]  }
0x31: {  	[smem:$0x3FB6] =	sst s10  }
0x32: {  	s10 =	sld [smem:$0x3FB4];
	_ =	sdelay $0x3  }
0x33: {  	p0 =	seq.s32 s10, $0x1;
	s10 =	sld [smem:$0x3FB6];
	_ =	sdelay $0x3  }
0x34: {  	[smem:$0x3FB6] =	sst s10  }
0x35: {  	s10 =	sld [smem:$0x3FB5];
	_ =	sdelay $0x3  }
0x36: {  	p1 =	seq.s32 s10, $0x1;
	s10 =	sld [smem:$0x3FB6];
	_ =	sdelay $0x3  }
0x37: {  	[smem:$0x3FB6] =	sst s10  }
0x38: {  	s10 =	sld [smem:$0x3FB7]  }
0x39: {  	_ = 	snop;
	(pc) =	sbr.ind lr, $3  }
0x3a: {  	_ = 	snop  }
0x3b: {  	_ = 	snop  }
0x3c: {  	p2 =	seq.s32 s10, $0x1;
	s10 =	sld [smem:$0x3FB6]  }
0x3d: {  	_ =	shalt  }
0x3e: {  	_ =	shalt  }
0x3f: {  	_ =	shalt  }
0x40: {  	_ =	shalt  }
0x41: {  	_ =	shalt  }
0x42: {  	_ =	shalt  }
0x43: {  	_ =	shalt  }
0x44: {  	_ =	shalt  }
0x45: {  	_ =	shalt  }
0x46: {  	_ =	shalt  }
0x47: {  	_ =	shalt  }
0x48: {  	_ =	shalt  }
0x49: {  	_ =	shalt  }
0x4a: {  	_ =	shalt  }
0x4b: {  	_ =	shalt  }
0x4c: {  	_ =	shalt  }
0x4d: {  	_ =	shalt  }
0x4e: {  	_ =	shalt  }
0x4f: {  	_ =	shalt  }
0x50: {  	_ =	shalt  }
0x51: {  	_ =	shalt  }
0x52: {  	_ =	shalt  }
0x53: {  	_ =	shalt  }
0x54: {  	_ =	shalt  }
0x55: {  	_ =	shalt  }
0x56: {  	_ =	shalt  }
0x57: {  	_ =	shalt  }
0x58: {  	_ =	shalt  }
0x59: {  	_ =	shalt  }
0x5a: {  	_ =	shalt  }
0x5b: {  	_ =	shalt  }
0x5c: {  	_ =	shalt  }
0x5d: {  	_ =	shalt  }
0x5e: {  	_ =	shalt  }
0x5f: {  	_ =	shalt  }
0x60: {  	_ =	shalt  }
0x61: {  	_ =	shalt  }
0x62: {  	_ =	shalt  }
0x63: {  	_ =	shalt  }
0x64: {  	_ =	shalt  }
0x65: {  	_ =	shalt  }
0x66: {  	_ =	shalt  }
0x67: {  	_ =	shalt  }
0x68: {  	_ =	shalt  }
0x69: {  	_ =	shalt  }
0x6a: {  	_ =	shalt  }
0x6b: {  	_ =	shalt  }
0x6c: {  	_ =	shalt  }
0x6d: {  	_ =	shalt  }
0x6e: {  	_ =	shalt  }
0x6f: {  	_ =	shalt  }
0x70: {  	_ =	shalt  }
0x71: {  	_ =	shalt  }
0x72: {  	_ =	shalt  }
0x73: {  	_ =	shalt  }
0x74: {  	_ =	shalt  }
0x75: {  	_ =	shalt  }
0x76: {  	_ =	shalt  }
0x77: {  	_ =	shalt  }
0x78: {  	_ =	shalt  }
0x79: {  	_ =	shalt  }
0x7a: {  	_ =	shalt  }
0x7b: {  	_ =	shalt  }
0x7c: {  	_ =	shalt  }
0x7d: {  	_ =	shalt  }
0x7e: {  	_ =	shalt  }
0x7f: {  	_ =	shalt  }
0x80: {  	_ =	shalt  }
0x81: {  	_ =	shalt  }
0x82: {  	_ =	shalt  }
0x83: {  	_ =	shalt  }
0x84: {  	_ =	shalt  }
0x85: {  	_ =	shalt  }
0x86: {  	_ =	shalt  }
0x87: {  	_ =	shalt  }
.Lfunc_end0:
.L_simem_size_0:
called_computation_lowered:
.L_overlay_start_0:
0x88: {  	s2 =	sld [smem:$0x3FD9]  }
0x89: {  	s3 =	sld [smem:$0x3FFE];
	_ =	sdelay $0x1  }
0x8a: {  	s1 =	srdreg.scid  }
0x8b: {  	s0 =	sand.u32 $0x1, s1  }
0x8c: {  	s16 =	sshll.u32 s0, $0xA;
	s2 =	sadd.s32 s3, s2  }
0x8d: {  	s2 =	sadd.s32 s2, s16  }
0x8e: {  	[smem:$0x3FC2] =	sst s2  }
0x8f: {  	_ = 	snop  }
0x90: {  	(tm) =	ssettm $0x1  }
0x91: {  	s17 =	sld [smem:$0x3FFB];
	_ =	sdelay $0x3  }
0x92: {  	_ =	strace s17  }
0x93: {  	s2 =	sld [smem:$0x3FFC];
	_ =	sdelay $0x3  }
0x94: {  	_ =	strace s2  }
0x95: {  	s2 =	sld [smem:$0x3FFD];
	_ =	sdelay $0x3  }
0x96: {  	_ =	strace s2  }
0x97: {  	_ =	strace $0x8FFFFFFF  }
0x98: {  	s18 =	sld [smem:$0x3FDB];
	_ =	sdelay $0x1  }
0x99: {  	s19 =	simm.s32 $_scs_section_size  }
0x9a: {  	s4 =	simm.s32 $_size__tile_overlayer_lowered;
	s5 =	simm.s32 $_tile_overlayer_lowered  }
0x9b: {  	s22 =	simm.s32 $0x1BFF;
	s21 =	sshll.u32 s5, $0x1;
	s2 =	sadd.s32 s19, s18  }
0x9c: {  	s6 =	simm.s32 $0x0;
	s20 =	sshll.u32 s4, $0x1;
	s4 =	sadd.s32 s21, s2  }
0x9d: {  	[timem:s6], [sflag:s22] =	dma.local [hbm:s4], s20  }
0x9e: {  	_ =	swait.ge [sflag:s22], s20  }
0x9f: {  	s3 =	ssub.s32 $0x0, s20;
	[sflag:s22] =	ssyncset.done $0x0  }
0xa0: {  	[sflag:s22] =	ssyncadd.s32 s3;
	_ =	sdelay $0x1  }
0xa1: {  	s23 =	simm.s32 $0x1B8B  }
0xa2: {  	_ =	swait.ge [sflag:s23], $0x1  }
0xa3: {  	[sflag:s23] =	ssyncset.done $0x0  }
0xa4: {  	s25 =	simm.s32 $0x1B8E;
	s24 =	sld [smem:$0x3FFE];
	[sflag:s23] =	ssyncadd.s32 $0xFFFFFFFF  }
0xa5: {  	s26 =	simm.s32 $execute0_lowered;
	[smem:$0x3FD2] =	sst s25  }
0xa6: {  	s4 =	sshll.u32 s26, $0x1;
	_ =	strace $0x80000046;
	[dreg:$0x1] =	wrdreg $0xFFFFFFFF  }
0xa7: {  	s28 =	simm.s32 $_size_execute0_lowered;
	s2 =	sadd.s32 s2, s4;
	[dreg:$0x0] =	wrdreg $0x0  }
0xa8: {  	s4 =	sshll.u32 s28, $0x1;
	[dreg:$0x2] =	wrdreg s2  }
0xa9: {  	[dreg:$0x3] =	wrdreg s4  }
0xaa: {  	[dreg:$0x4] =	wrdreg $0xC0  }
0xab: {  	_ =	task [dreg:s6], $0x5FFFF  }
0xac: {  	[dreg:$0x1] =	wrdreg $0xFFFFFFFF  }
0xad: {  	[dreg:$0x0] =	wrdreg $0x60  }
0xae: {  	[dreg:$0x2] =	wrdreg s24  }
0xaf: {  	[dreg:$0x3] =	wrdreg $0x9  }
0xb0: {  	_ =	task.clear_ibuf [dreg:s6], $0x4FFFF;
	_ =	strace $0x90000046  }
0xb1: {  	s29 =	simm.s32 $0x9;
	_ =	strace $0x80000048  }
0xb2: {  	_ =	swait.ge [sflag:s29], $0x1  }
0xb3: {  	[sflag:s29] =	ssyncadd.s32 $0xFFFFFFFF  }
0xb4: {  	_ =	strace $0x90000048  }
0xb5: {  	_ =	sfence  }
0xb6: {  	s30 =	sld [smem:$0x0];
	_ =	sdelay $0x2  }
0xb7: {  	s31 =	sshll.u32 s1, $0xD;
	s1 =	sshrl.u32 s1, $0x2  }
0xb8: {  	s3 =	sand.u32 $0x4000, s31;
	s1 =	sadd.s32 s1, s30  }
0xb9: {  	s0 =	sor.u32 s3, s0;
	s1 =	sshll.u32 s1, $0x11  }
0xba: {  	s0 =	sor.u32 s1, s0  }
0xbb: {  	s0 =	sadd.s32 $0x8F2B, s0  }
0xbc: {  	[sflag:s0] =	ssyncadd.remote.s32 $0x1  }
0xbd: {  	_ =	sfence.sel $0xFFFF  }
0xbe: {  	[dreg:$0x0] =	wrdreg $0xFFFFFFFF;
	(pc) =	sbr.abs _section_cstart, $3  }
0xbf: {  	[dreg:$0x1] =	wrdreg $0xFFFFFFFF  }
0xc0: {  	_ =	task.clear_ibuf [dreg:s6], $0x2FFFF;
	_ =	strace $0x9FFFFFFF  }
0xc1: {  	(tm) =	ssettm $0x7FFFFFFF  }
tec
execute0_lowered:
.L_overlay_start_1:
0x0: {  	(tag) =	ssettag $0x1  }
0x1: {  	s3 =	rddreg [dreg:$0x0];
	s2 =	srdreg.scid  }
0x2: {  	s1 =	stileid.u32;
	s0 =	rddreg [dreg:$0x1];
	s8 =	simm.s32 $0x80  }
0x3: {  	s9 =	simm.s32 $0x400;
	s4 =	sand.u32 $0x1, s2;
	s5 =	sshll.u32 s1, $0x1  }
0x4: {  	s2 =	simm.s32 $0x0;
	s6 =	sshrl.u32 s1, $0x2;
	s5 =	sor.u32 s4, s5  }
0x5: {  	[smem:$0x7FF] =	sst s2;
	s6 =	smul.u32 $0x14000, s6;
	s7 =	sshll.u32 s5, $0x7  }
0x6: {  	s4 =	ssub.s32 $0x2, s4;
	_ =	strace $0x80000047;
	s7 =	sand.u32 $0x380, s7  }
0x7: {  	s5 =	sshll.u32 s5, $0xB;
	s31 =	sshrl.u32 s4, $0x1;
	s6 =	sor.u32 s6, s7  }
0x8: {  	s5 =	sadd.s32 s5, s3;
	s7 =	ssub.s32 s4, s31;
	s6 =	sshrl.u32 s6, $0x3  }
0x9: {  	s6 =	sadd.s32 s6, s3;
	s3 =	sadd.s32 $0x2800, s5;
	s5 =	smax.u32 s7, $0x1  }
0xa: {  	v0 =	vimm.f32 $0.0e+00;
	v1 =	vimm.f32 $1.000000000e+00;
	s7 =	simm.s32 $0x4000;
	s4 =	sadd.s32 $0x12800, s6;
	s6 =	simm.s32 $0x1  }
.LBB2_1:
0xb: {  	s10 =	simm.s32 $0x40;
	s11 =	simm.s32 $0x0  }
.LBB2_2:
0xc: {  	p0 =	sne.s32 s10, $0x9FC0;
	[tilespmem:s11+$0x4000] =	vst v0;
	s11 =	smov.u32 s10;
	s10 =	sadd.s32 $0x40, s10  }
.Ltmp0:
0xd: {  	(pc) =	sbr.rel @p0 .LBB2_2-.Ltmp0, $2  }
0xe: {  	_ =	sdelay $0x2  }
0xf: {  	s11 =	sshra.s32 s11, $0x2  }
0x10: {  	[tilespmem:s11+$0x4000] =	vst v0;
	s10 =	simm.s32 $0x0  }
0x11: {  	[tilespmem:s10], [sflag:$0x1] =	stream.linear.gather [hbm4b:s3+s10], $0x3E80, $0x38;
	[tilespmem:$0x6800] =	vst v63  }
0x12: {  	_ =	swait.ge [sflag:s6], $0x3E80  }
0x13: {  	[sflag:s6] =	ssyncset.done $0x0  }
0x14: {  	[sflag:s6] =	ssyncadd.s32 $0xFFFFC180  }
.LBB2_4:
0x15: {  	s11 =	sshra.s32 s10, $0x2  }
0x16: {  	v2 =	vld [tilespmem:s11+$0x0];
	_ =	sdelay $0x7  }
0x17: {  	[tilespmem:v2+s7+$0x0] =	vst.idx.add.f32.msk $0xffff, v1  }
0x18: {  	v2 =	vld [tilespmem:s11+$0x10];
	_ =	sdelay $0x7  }
0x19: {  	[tilespmem:v2+s7+$0x0] =	vst.idx.add.f32.msk $0xffff, v1  }
0x1a: {  	v2 =	vld [tilespmem:s11+$0x20];
	_ =	sdelay $0x7  }
0x1b: {  	[tilespmem:v2+s7+$0x0] =	vst.idx.add.f32.msk $0xffff, v1  }
0x1c: {  	v2 =	vld [tilespmem:s11+$0x30];
	_ =	sdelay $0x7  }
0x1d: {  	[tilespmem:v2+s7+$0x0] =	vst.idx.add.f32.msk $0xffff, v1  }
0x1e: {  	v2 =	vld [tilespmem:s11+$0x40];
	_ =	sdelay $0x2  }
0x1f: {  	p0 =	sne.s32 s10, $0xF800  }
.Ltmp1:
0x20: {  	_ = 	snop;
	(pc) =	sbr.rel @p0 .LBB2_4-.Ltmp1, $2  }
0x21: {  	_ =	sdelay $0x2  }
0x22: {  	s10 =	sadd.s32 $0x200, s10;
	[tilespmem:v2+s7+$0x0] =	vst.idx.add.f32.msk $0xffff, v1  }
0x23: {  	s2 =	sadd.s32 $0x1, s2  }
0x24: {  	p0 =	sne.s32 s2, s5  }
.Ltmp2:
0x25: {  	_ = 	snop;
	(pc) =	sbr.rel @p0 .LBB2_1-.Ltmp2, $4  }
0x26: {  	[hbm4b:s4+s8] =	stream.strided.scatter [tilespmem:s7], [sflag:$0x1], $0x2800, s9, s8, $0x38;
	[tilespmem:$0x6800] =	vst v63  }
0x27: {  	_ =	swait.ge [sflag:s6], $0x2800  }
0x28: {  	[sflag:s6] =	ssyncset.done $0x0  }
0x29: {  	[sflag:s6] =	ssyncadd.s32 $0xFFFFD800  }
0x2a: {  	_ =	sfence.sel $0x180000  }
0x2b: {  	[bflag:$0x0] =	sbarrier.arrive $0xFFFF  }
0x2c: {  	p0 =	sne.s32 s1, $0x0;
	_ =	strace $0x90000047  }
0x2d: {  	s0 =	sadd.s32 @!p0 $0x100000, s0;
	[bflag:$0x2] =	sbarrier.arrive $0xFFFF  }
0x2e: {  	[sflag:s0] =	ssyncadd.tile.s32 @!p0 $0x1;
	_ =	shalt  }
.Lfunc_end2:
_tile_overlayer_lowered:
.L_overlay_start_2:
0x2f: {  	(tag) =	ssettag $0x2  }
0x30: {  	s0 =	rddreg [dreg:$0x0];
	s2 =	stileid.u32  }
0x31: {  	s1 =	rddreg [dreg:$0x1];
	p0 =	sne.s32 s2, $0x0  }
0x32: {  	s3 =	rddreg [dreg:$0x2];
	[bflag:$0x3] =	sbarrier.arrive $0xFFFF;
	s2 =	simm.s32 @!p0 $0x1C01  }
0x33: {  	[timem:s3], [sflag:s2] =	dma.local @!p0 [hbm:s0], s1  }
0x34: {  	s0 =	simm.s32 @!p0 $0x1  }
0x35: {  	_ =	swait.ge @!p0 [sflag:s0], s1  }
0x36: {  	s1 =	ssub.s32 @!p0 $0x0, s1;
	[sflag:s0] =	ssyncset.done @!p0 $0x0  }
0x37: {  	[sflag:s0] =	ssyncadd.s32 @!p0 s1  }
0x38: {  	[bflag:$0x3] =	sbarrier.arrive $0xFFFF  }
0x39: {  	_ =	shalt  }

</sc_bundles>
